<compile_context>
chip_gen: v7x
topology: tpu7x:2x2x1
jax: 0.10.2.dev20260603
libtpu: 0.0.44.dev20260713+nightly
codegen_flags: <defaults>
</compile_context>

<pallas_src>
import functools

import jax
import jax.numpy as jnp
from jax import lax
from jax.experimental import pallas as pl
from jax.experimental.pallas import tpu as pltpu
from jax.experimental.pallas import tpu_sc as plsc

NC = 2
NS = 16
NW = NC * NS
LANES = 16
NSEQ = 2
NBUF = 2


def _build_sc_call(B, L, V, D):
    seq_per_w = B // NW
    rows_per_w = seq_per_w * L
    vregs_per_row = D // LANES
    crows = NSEQ * L
    nchunks = seq_per_w // NSEQ
    ngroups = nchunks // NBUF

    mesh = plsc.VectorSubcoreMesh(core_axis_name="c", subcore_axis_name="s")

    @functools.partial(
        pl.kernel,
        out_type=jax.ShapeDtypeStruct((B * L, D), jnp.float32),
        mesh=mesh,
        scratch_types=[
            pltpu.VMEM((rows_per_w,), jnp.int32),
            pltpu.VMEM((L, D), jnp.float32),
            [pltpu.VMEM((crows, D), jnp.float32) for _ in range(NBUF)],
            [pltpu.SemaphoreType.DMA for _ in range(NBUF)],
            [pltpu.SemaphoreType.DMA for _ in range(NBUF)],
        ],
        compiler_params=pltpu.CompilerParams(use_tc_tiling_on_sc=False),
    )
    def sc_fn(x_hbm, pe_hbm, table_hbm, out_hbm, idx_v, pe_v, bufs, gsems, osems):
        wid = lax.axis_index("s") * NC + lax.axis_index("c")
        row_base = wid * rows_per_w
        pltpu.sync_copy(x_hbm.at[pl.ds(row_base, rows_per_w)], idx_v)
        pltpu.sync_copy(pe_hbm, pe_v)

        def gather(c, b):
            pltpu.async_copy(
                table_hbm.at[idx_v.at[pl.ds(c * crows, crows)]], bufs[b], gsems[b]
            )

        def wait_gather(b):
            pltpu.make_async_copy(
                table_hbm.at[idx_v.at[pl.ds(0, crows)]], bufs[b], gsems[b]
            ).wait()

        def scatter(c, b):
            pltpu.async_copy(
                bufs[b], out_hbm.at[pl.ds(row_base + c * crows, crows)], osems[b]
            )

        def wait_scatter(b):
            pltpu.make_async_copy(
                bufs[b], out_hbm.at[pl.ds(row_base, crows)], osems[b]
            ).wait()

        for b in range(NBUF):
            gather(b, b)

        def grp_body(g, carry):
            for b in range(NBUF):
                c = g * NBUF + b
                wait_gather(b)

                def add_body(l, acc, buf=bufs[b]):
                    for j in range(vregs_per_row):
                        sl = pl.ds(j * LANES, LANES)
                        pej = pe_v[l, sl]
                        for q in range(NSEQ):
                            r = q * L + l
                            buf[r, sl] = buf[r, sl] + pej
                    return acc

                lax.fori_loop(0, L, add_body, 0, unroll=2)

                scatter(c, b)

                @pl.when(g < ngroups - 1)
                def _(c=c, b=b):
                    wait_scatter(b)
                    gather(c + NBUF, b)
            return carry

        lax.fori_loop(0, ngroups, grp_body, 0)

        for b in range(NBUF):
            wait_scatter(b)

    return sc_fn


def kernel(x, table, pe):
    B, L = x.shape
    V, D = table.shape
    x_flat = x.reshape(B * L)
    pe_block = pe[0, :L, :]
    sc_fn = _build_sc_call(B, L, V, D)
    out = sc_fn(x_flat, pe_block, table)
    return out.reshape(B, L, D)

# --- scband reference (transcript-rebuilt; emitter-appended) ---
"""Pipeline reference for scband-decoder-positional-encoding-27556510171156 (READ-ONLY COPY).

The authoritative reference and input builder live on the scoring server;
editing this copy changes nothing except your own understanding.
"""

import jax, jax.numpy as jnp
import numpy as np

VOCAB = 100000
EMB = 64
B = 4096
L = 200
MAX_LEN = 256
PAD_IDX = 1


def _make_pe(max_len, d):
    pos = np.arange(max_len, dtype=np.float32)[:, None]
    div = np.exp(np.arange(0, d, 2, dtype=np.float32) * (-np.log(10000.0) / d))
    pe = np.zeros((max_len, d), dtype=np.float32)
    pe[:, 0::2] = np.sin(pos * div)
    pe[:, 1::2] = np.cos(pos * div)
    return jnp.asarray(pe[None, :, :])  # [1, max_len, d]


def setup_inputs(seed: int = 0) -> dict:
    key = jax.random.key(seed)
    k1, k2 = jax.random.split(key)
    x = jax.random.randint(k1, (B, L), 0, VOCAB, dtype=jnp.int32)
    table = jax.random.normal(k2, (VOCAB, EMB), dtype=jnp.float32)
    table = table.at[PAD_IDX].set(0.0)  # nn.Embedding padding_idx row is zero
    pe = _make_pe(MAX_LEN, EMB)
    return {"x": x, "table": table, "pe": pe}


def reference(x, table, pe):
    # x_emb = self.tgt_embedding(x)
    x_emb = jnp.take(table, x, axis=0)  # [B, L, EMB] gather
    # x = x_emb + self.positional_encoding[:, :x_emb.size(1)]
    out = x_emb + pe[:, : x_emb.shape[1]]
    # dropout is identity in eval mode
    return out

if __name__ == "__main__":
    import jax
    _d = setup_inputs()
    print(jax.jit(kernel)(*tuple(_d.values())))

</pallas_src>

<mosaic_0001>
#map = affine_map<(d0, d1) -> (0)>
#map1 = affine_map<(d0, d1) -> (0, 0)>
module attributes {stable_mosaic.version = 14 : i64} {
  func.func @sc_fn(%arg0: i32, %arg1: i32, %arg2: memref<819200xi32, #tpu.memory_space<hbm>>, %arg3: memref<200x64xf32, #tpu.memory_space<hbm>>, %arg4: memref<100000x64xf32, #tpu.memory_space<hbm>>, %arg5: memref<819200x64xf32, #tpu.memory_space<hbm>>, %arg6: memref<25600xi32, #tpu.memory_space<vmem>>, %arg7: memref<200x64xf32, #tpu.memory_space<vmem>>, %arg8: memref<400x64xf32, #tpu.memory_space<vmem>>, %arg9: memref<400x64xf32, #tpu.memory_space<vmem>>, %arg10: memref<!tpu.dma_semaphore, #tpu.memory_space<semaphore_mem>>, %arg11: memref<!tpu.dma_semaphore, #tpu.memory_space<semaphore_mem>>, %arg12: memref<!tpu.dma_semaphore, #tpu.memory_space<semaphore_mem>>, %arg13: memref<!tpu.dma_semaphore, #tpu.memory_space<semaphore_mem>>) attributes {dimension_semantics = [#tpu.dimension_semantics<core_parallel>, #tpu.dimension_semantics<subcore_parallel>], iteration_bounds = array<i64: 2, 16>, scalar_prefetch = 0 : i64, scratch_operands = 8 : i64, tpu.core_type = #tpu.core_type<sc_vector_subcore>, window_params = [{transform_indices = #map}, {transform_indices = #map1}, {transform_indices = #map1}, {transform_indices = #map1}]} {
    %mul3A = arith.constant 2 : i32
    %mul3A_0 = arith.muli %arg1, %mul3A : i32
    %add3A = arith.addi %mul3A_0, %arg0 : i32
    %mul3A_1 = arith.constant 25600 : i32
    %mul3A_2 = arith.muli %add3A, %mul3A_1 : i32
    "tpu.region"() ({
      %run_scoped3A = tpu.sem_alloc : memref<!tpu.dma_semaphore, #tpu.memory_space<semaphore_mem>>
      %dma_start3A_24 = tpu.memref_slice %arg2[%mul3A_2] : memref<819200xi32, #tpu.memory_space<hbm>> -> memref<25600xi32, #tpu.memory_space<hbm>>
      %dma_start3A_25 = tpu.memref_slice %arg2[%mul3A_2] : memref<819200xi32, #tpu.memory_space<hbm>> -> memref<25600xi32, #tpu.memory_space<hbm>>
      tpu.enqueue_dma source(%dma_start3A_25 : memref<25600xi32, #tpu.memory_space<hbm>>) target(%arg6 : memref<25600xi32, #tpu.memory_space<vmem>>) target_semaphore(%run_scoped3A : memref<!tpu.dma_semaphore, #tpu.memory_space<semaphore_mem>>)
      %dma_wait3A_26 = tpu.memref_slice %arg2[%mul3A_2] : memref<819200xi32, #tpu.memory_space<hbm>> -> memref<25600xi32, #tpu.memory_space<hbm>>
      %dma_wait3A_27 = tpu.memref_slice %arg2[%mul3A_2] : memref<819200xi32, #tpu.memory_space<hbm>> -> memref<25600xi32, #tpu.memory_space<hbm>>
      tpu.wait_dma2 semaphore(%run_scoped3A : memref<!tpu.dma_semaphore, #tpu.memory_space<semaphore_mem>>) src(%dma_wait3A_27 : memref<25600xi32, #tpu.memory_space<hbm>>) dst(%arg6 : memref<25600xi32, #tpu.memory_space<vmem>>)
      tpu.yield
    }) : () -> ()
    "tpu.region"() ({
      %run_scoped3A = tpu.sem_alloc : memref<!tpu.dma_semaphore, #tpu.memory_space<semaphore_mem>>
      tpu.enqueue_dma source(%arg3 : memref<200x64xf32, #tpu.memory_space<hbm>>) target(%arg7 : memref<200x64xf32, #tpu.memory_space<vmem>>) target_semaphore(%run_scoped3A : memref<!tpu.dma_semaphore, #tpu.memory_space<semaphore_mem>>)
      tpu.wait_dma2 semaphore(%run_scoped3A : memref<!tpu.dma_semaphore, #tpu.memory_space<semaphore_mem>>) src(%arg3 : memref<200x64xf32, #tpu.memory_space<hbm>>) dst(%arg7 : memref<200x64xf32, #tpu.memory_space<vmem>>)
      tpu.yield
    }) : () -> ()
    %dma_start3A = arith.constant 0 : i32
    %dma_start3A_3 = tpu.memref_slice %arg6[%dma_start3A] : memref<25600xi32, #tpu.memory_space<vmem>> -> memref<400xi32, #tpu.memory_space<vmem>>
    %dma_start3A_4 = arith.constant 0 : i32
    %dma_start3A_5 = arith.constant 0 : i32
    %dma_start3A_6 = tpu.memref_slice %arg4[%dma_start3A_4, %dma_start3A_5] : memref<100000x64xf32, #tpu.memory_space<hbm>> -> memref<100000x64xf32, #tpu.memory_space<hbm>>
    tpu.enqueue_indirect_dma source(%dma_start3A_6 : memref<100000x64xf32, #tpu.memory_space<hbm>>) target(%arg8 : memref<400x64xf32, #tpu.memory_space<vmem>>) offsets(%dma_start3A_3 : memref<400xi32, #tpu.memory_space<vmem>>) semaphore(%arg10 : memref<!tpu.dma_semaphore, #tpu.memory_space<semaphore_mem>>)
    %dma_start3A_7 = arith.constant 400 : i32
    %dma_start3A_8 = tpu.memref_slice %arg6[%dma_start3A_7] : memref<25600xi32, #tpu.memory_space<vmem>> -> memref<400xi32, #tpu.memory_space<vmem>>
    %dma_start3A_9 = arith.constant 0 : i32
    %dma_start3A_10 = arith.constant 0 : i32
    %dma_start3A_11 = tpu.memref_slice %arg4[%dma_start3A_9, %dma_start3A_10] : memref<100000x64xf32, #tpu.memory_space<hbm>> -> memref<100000x64xf32, #tpu.memory_space<hbm>>
    tpu.enqueue_indirect_dma source(%dma_start3A_11 : memref<100000x64xf32, #tpu.memory_space<hbm>>) target(%arg9 : memref<400x64xf32, #tpu.memory_space<vmem>>) offsets(%dma_start3A_8 : memref<400xi32, #tpu.memory_space<vmem>>) semaphore(%arg11 : memref<!tpu.dma_semaphore, #tpu.memory_space<semaphore_mem>>)
    %scan3A = arith.constant 0 : i32
    %scan3A_12 = arith.constant 0 : i32
    %scan3A_13 = arith.constant 32 : i32
    %scan3A_14 = arith.addi %scan3A_12, %scan3A_13 : i32
    %scan3A_15 = arith.constant 1 : i32
    scf.for %scan3A_24 = %scan3A_12 to %scan3A_14 step %scan3A_15  : i32 {
      %mul3A_25 = arith.constant 2 : i32
      %mul3A_26 = arith.muli %scan3A_24, %mul3A_25 : i32
      %add3A_27 = arith.constant 0 : i32
      %add3A_28 = arith.addi %mul3A_26, %add3A_27 : i32
      %dma_wait3A_29 = arith.constant 0 : i32
      %dma_wait3A_30 = tpu.memref_slice %arg6[%dma_wait3A_29] : memref<25600xi32, #tpu.memory_space<vmem>> -> memref<400xi32, #tpu.memory_space<vmem>>
      %dma_wait3A_31 = arith.constant 0 : i32
      %dma_wait3A_32 = arith.constant 0 : i32
      %dma_wait3A_33 = tpu.memref_slice %arg4[%dma_wait3A_31, %dma_wait3A_32] : memref<100000x64xf32, #tpu.memory_space<hbm>> -> memref<100000x64xf32, #tpu.memory_space<hbm>>
      tpu.wait_indirect_dma semaphore(%arg10 : memref<!tpu.dma_semaphore, #tpu.memory_space<semaphore_mem>>) src(%dma_wait3A_33 : memref<100000x64xf32, #tpu.memory_space<hbm>>) dst(%arg8 : memref<400x64xf32, #tpu.memory_space<vmem>>)
      %scan3A_34 = arith.constant 0 : i32
      %scan3A_35 = arith.constant 0 : i32
      %scan3A_36 = arith.constant 200 : i32
      %scan3A_37 = arith.addi %scan3A_35, %scan3A_36 : i32
      %scan3A_38 = arith.constant 2 : i32
      scf.for %scan3A_76 = %scan3A_35 to %scan3A_37 step %scan3A_38  : i32 {
        %get3A = arith.index_cast %scan3A_76 : i32 to index
        %get3A_77 = arith.constant 0 : index
        %get3A_78 = tpu.vector_load %arg7[%get3A, %get3A_77] {strides = array<i32>} : memref<200x64xf32, #tpu.memory_space<vmem>>, vector<1x16xf32>,
        %get3A_79 = vector.shape_cast %get3A_78 : vector<1x16xf32> to vector<16xf32>
        %add3A_80 = arith.constant 0 : i32
        %add3A_81 = arith.addi %add3A_80, %scan3A_76 : i32
        %get3A_82 = arith.index_cast %add3A_81 : i32 to index
        %get3A_83 = arith.constant 0 : index
        %get3A_84 = tpu.vector_load %arg8[%get3A_82, %get3A_83] {strides = array<i32>} : memref<400x64xf32, #tpu.memory_space<vmem>>, vector<1x16xf32>,
        %get3A_85 = vector.shape_cast %get3A_84 : vector<1x16xf32> to vector<16xf32>
        %add3A_86 = arith.addf %get3A_85, %get3A_79 : vector<16xf32>
        %swap3A = arith.index_cast %add3A_81 : i32 to index
        %swap3A_87 = arith.constant 0 : index
        %swap3A_88 = tpu.vector_load %arg8[%swap3A, %swap3A_87] {strides = array<i32>} : memref<400x64xf32, #tpu.memory_space<vmem>>, vector<1x16xf32>,
        %swap3A_89 = vector.shape_cast %swap3A_88 : vector<1x16xf32> to vector<16xf32>
        %swap3A_90 = vector.shape_cast %add3A_86 : vector<16xf32> to vector<1x16xf32>
        tpu.vector_store %arg8[%swap3A, %swap3A_87], %swap3A_90 {strides = array<i32>} : memref<400x64xf32, #tpu.memory_space<vmem>>, vector<1x16xf32>,
        %add3A_91 = arith.constant 200 : i32
        %add3A_92 = arith.addi %add3A_91, %scan3A_76 : i32
        %get3A_93 = arith.index_cast %add3A_92 : i32 to index
        %get3A_94 = arith.constant 0 : index
        %get3A_95 = tpu.vector_load %arg8[%get3A_93, %get3A_94] {strides = array<i32>} : memref<400x64xf32, #tpu.memory_space<vmem>>, vector<1x16xf32>,
        %get3A_96 = vector.shape_cast %get3A_95 : vector<1x16xf32> to vector<16xf32>
        %add3A_97 = arith.addf %get3A_96, %get3A_79 : vector<16xf32>
        %swap3A_98 = arith.index_cast %add3A_92 : i32 to index
        %swap3A_99 = arith.constant 0 : index
        %swap3A_100 = tpu.vector_load %arg8[%swap3A_98, %swap3A_99] {strides = array<i32>} : memref<400x64xf32, #tpu.memory_space<vmem>>, vector<1x16xf32>,
        %swap3A_101 = vector.shape_cast %swap3A_100 : vector<1x16xf32> to vector<16xf32>
        %swap3A_102 = vector.shape_cast %add3A_97 : vector<16xf32> to vector<1x16xf32>
        tpu.vector_store %arg8[%swap3A_98, %swap3A_99], %swap3A_102 {strides = array<i32>} : memref<400x64xf32, #tpu.memory_space<vmem>>, vector<1x16xf32>,
        %get3A_103 = arith.index_cast %scan3A_76 : i32 to index
        %get3A_104 = arith.constant 16 : index
        %get3A_105 = tpu.vector_load %arg7[%get3A_103, %get3A_104] {strides = array<i32>} : memref<200x64xf32, #tpu.memory_space<vmem>>, vector<1x16xf32>,
        %get3A_106 = vector.shape_cast %get3A_105 : vector<1x16xf32> to vector<16xf32>
        %add3A_107 = arith.constant 0 : i32
        %add3A_108 = arith.addi %add3A_107, %scan3A_76 : i32
        %get3A_109 = arith.index_cast %add3A_108 : i32 to index
        %get3A_110 = arith.constant 16 : index
        %get3A_111 = tpu.vector_load %arg8[%get3A_109, %get3A_110] {strides = array<i32>} : memref<400x64xf32, #tpu.memory_space<vmem>>, vector<1x16xf32>,
        %get3A_112 = vector.shape_cast %get3A_111 : vector<1x16xf32> to vector<16xf32>
        %add3A_113 = arith.addf %get3A_112, %get3A_106 : vector<16xf32>
        %swap3A_114 = arith.index_cast %add3A_108 : i32 to index
        %swap3A_115 = arith.constant 16 : index
        %swap3A_116 = tpu.vector_load %arg8[%swap3A_114, %swap3A_115] {strides = array<i32>} : memref<400x64xf32, #tpu.memory_space<vmem>>, vector<1x16xf32>,
        %swap3A_117 = vector.shape_cast %swap3A_116 : vector<1x16xf32> to vector<16xf32>
        %swap3A_118 = vector.shape_cast %add3A_113 : vector<16xf32> to vector<1x16xf32>
        tpu.vector_store %arg8[%swap3A_114, %swap3A_115], %swap3A_118 {strides = array<i32>} : memref<400x64xf32, #tpu.memory_space<vmem>>, vector<1x16xf32>,
        %add3A_119 = arith.constant 200 : i32
        %add3A_120 = arith.addi %add3A_119, %scan3A_76 : i32
        %get3A_121 = arith.index_cast %add3A_120 : i32 to index
        %get3A_122 = arith.constant 16 : index
        %get3A_123 = tpu.vector_load %arg8[%get3A_121, %get3A_122] {strides = array<i32>} : memref<400x64xf32, #tpu.memory_space<vmem>>, vector<1x16xf32>,
        %get3A_124 = vector.shape_cast %get3A_123 : vector<1x16xf32> to vector<16xf32>
        %add3A_125 = arith.addf %get3A_124, %get3A_106 : vector<16xf32>
        %swap3A_126 = arith.index_cast %add3A_120 : i32 to index
        %swap3A_127 = arith.constant 16 : index
        %swap3A_128 = tpu.vector_load %arg8[%swap3A_126, %swap3A_127] {strides = array<i32>} : memref<400x64xf32, #tpu.memory_space<vmem>>, vector<1x16xf32>,
        %swap3A_129 = vector.shape_cast %swap3A_128 : vector<1x16xf32> to vector<16xf32>
        %swap3A_130 = vector.shape_cast %add3A_125 : vector<16xf32> to vector<1x16xf32>
        tpu.vector_store %arg8[%swap3A_126, %swap3A_127], %swap3A_130 {strides = array<i32>} : memref<400x64xf32, #tpu.memory_space<vmem>>, vector<1x16xf32>,
        %get3A_131 = arith.index_cast %scan3A_76 : i32 to index
        %get3A_132 = arith.constant 32 : index
        %get3A_133 = tpu.vector_load %arg7[%get3A_131, %get3A_132] {strides = array<i32>} : memref<200x64xf32, #tpu.memory_space<vmem>>, vector<1x16xf32>,
        %get3A_134 = vector.shape_cast %get3A_133 : vector<1x16xf32> to vector<16xf32>
        %add3A_135 = arith.constant 0 : i32
        %add3A_136 = arith.addi %add3A_135, %scan3A_76 : i32
        %get3A_137 = arith.index_cast %add3A_136 : i32 to index
        %get3A_138 = arith.constant 32 : index
        %get3A_139 = tpu.vector_load %arg8[%get3A_137, %get3A_138] {strides = array<i32>} : memref<400x64xf32, #tpu.memory_space<vmem>>, vector<1x16xf32>,
        %get3A_140 = vector.shape_cast %get3A_139 : vector<1x16xf32> to vector<16xf32>
        %add3A_141 = arith.addf %get3A_140, %get3A_134 : vector<16xf32>
        %swap3A_142 = arith.index_cast %add3A_136 : i32 to index
        %swap3A_143 = arith.constant 32 : index
        %swap3A_144 = tpu.vector_load %arg8[%swap3A_142, %swap3A_143] {strides = array<i32>} : memref<400x64xf32, #tpu.memory_space<vmem>>, vector<1x16xf32>,
        %swap3A_145 = vector.shape_cast %swap3A_144 : vector<1x16xf32> to vector<16xf32>
        %swap3A_146 = vector.shape_cast %add3A_141 : vector<16xf32> to vector<1x16xf32>
        tpu.vector_store %arg8[%swap3A_142, %swap3A_143], %swap3A_146 {strides = array<i32>} : memref<400x64xf32, #tpu.memory_space<vmem>>, vector<1x16xf32>,
        %add3A_147 = arith.constant 200 : i32
        %add3A_148 = arith.addi %add3A_147, %scan3A_76 : i32
        %get3A_149 = arith.index_cast %add3A_148 : i32 to index
        %get3A_150 = arith.constant 32 : index
        %get3A_151 = tpu.vector_load %arg8[%get3A_149, %get3A_150] {strides = array<i32>} : memref<400x64xf32, #tpu.memory_space<vmem>>, vector<1x16xf32>,
        %get3A_152 = vector.shape_cast %get3A_151 : vector<1x16xf32> to vector<16xf32>
        %add3A_153 = arith.addf %get3A_152, %get3A_134 : vector<16xf32>
        %swap3A_154 = arith.index_cast %add3A_148 : i32 to index
        %swap3A_155 = arith.constant 32 : index
        %swap3A_156 = tpu.vector_load %arg8[%swap3A_154, %swap3A_155] {strides = array<i32>} : memref<400x64xf32, #tpu.memory_space<vmem>>, vector<1x16xf32>,
        %swap3A_157 = vector.shape_cast %swap3A_156 : vector<1x16xf32> to vector<16xf32>
        %swap3A_158 = vector.shape_cast %add3A_153 : vector<16xf32> to vector<1x16xf32>
        tpu.vector_store %arg8[%swap3A_154, %swap3A_155], %swap3A_158 {strides = array<i32>} : memref<400x64xf32, #tpu.memory_space<vmem>>, vector<1x16xf32>,
        %get3A_159 = arith.index_cast %scan3A_76 : i32 to index
        %get3A_160 = arith.constant 48 : index
        %get3A_161 = tpu.vector_load %arg7[%get3A_159, %get3A_160] {strides = array<i32>} : memref<200x64xf32, #tpu.memory_space<vmem>>, vector<1x16xf32>,
        %get3A_162 = vector.shape_cast %get3A_161 : vector<1x16xf32> to vector<16xf32>
        %add3A_163 = arith.constant 0 : i32
        %add3A_164 = arith.addi %add3A_163, %scan3A_76 : i32
        %get3A_165 = arith.index_cast %add3A_164 : i32 to index
        %get3A_166 = arith.constant 48 : index
        %get3A_167 = tpu.vector_load %arg8[%get3A_165, %get3A_166] {strides = array<i32>} : memref<400x64xf32, #tpu.memory_space<vmem>>, vector<1x16xf32>,
        %get3A_168 = vector.shape_cast %get3A_167 : vector<1x16xf32> to vector<16xf32>
        %add3A_169 = arith.addf %get3A_168, %get3A_162 : vector<16xf32>
        %swap3A_170 = arith.index_cast %add3A_164 : i32 to index
        %swap3A_171 = arith.constant 48 : index
        %swap3A_172 = tpu.vector_load %arg8[%swap3A_170, %swap3A_171] {strides = array<i32>} : memref<400x64xf32, #tpu.memory_space<vmem>>, vector<1x16xf32>,
        %swap3A_173 = vector.shape_cast %swap3A_172 : vector<1x16xf32> to vector<16xf32>
        %swap3A_174 = vector.shape_cast %add3A_169 : vector<16xf32> to vector<1x16xf32>
        tpu.vector_store %arg8[%swap3A_170, %swap3A_171], %swap3A_174 {strides = array<i32>} : memref<400x64xf32, #tpu.memory_space<vmem>>, vector<1x16xf32>,
        %add3A_175 = arith.constant 200 : i32
        %add3A_176 = arith.addi %add3A_175, %scan3A_76 : i32
        %get3A_177 = arith.index_cast %add3A_176 : i32 to index
        %get3A_178 = arith.constant 48 : index
        %get3A_179 = tpu.vector_load %arg8[%get3A_177, %get3A_178] {strides = array<i32>} : memref<400x64xf32, #tpu.memory_space<vmem>>, vector<1x16xf32>,
        %get3A_180 = vector.shape_cast %get3A_179 : vector<1x16xf32> to vector<16xf32>
        %add3A_181 = arith.addf %get3A_180, %get3A_162 : vector<16xf32>
        %swap3A_182 = arith.index_cast %add3A_176 : i32 to index
        %swap3A_183 = arith.constant 48 : index
        %swap3A_184 = tpu.vector_load %arg8[%swap3A_182, %swap3A_183] {strides = array<i32>} : memref<400x64xf32, #tpu.memory_space<vmem>>, vector<1x16xf32>,
        %swap3A_185 = vector.shape_cast %swap3A_184 : vector<1x16xf32> to vector<16xf32>
        %swap3A_186 = vector.shape_cast %add3A_181 : vector<16xf32> to vector<1x16xf32>
        tpu.vector_store %arg8[%swap3A_182, %swap3A_183], %swap3A_186 {strides = array<i32>} : memref<400x64xf32, #tpu.memory_space<vmem>>, vector<1x16xf32>,
        %scan3A_187 = arith.constant 1 : i32
        %scan3A_188 = arith.addi %scan3A_76, %scan3A_187 : i32
        %get3A_189 = arith.index_cast %scan3A_188 : i32 to index
        %get3A_190 = arith.constant 0 : index
        %get3A_191 = tpu.vector_load %arg7[%get3A_189, %get3A_190] {strides = array<i32>} : memref<200x64xf32, #tpu.memory_space<vmem>>, vector<1x16xf32>,
        %get3A_192 = vector.shape_cast %get3A_191 : vector<1x16xf32> to vector<16xf32>
        %add3A_193 = arith.constant 0 : i32
        %add3A_194 = arith.addi %add3A_193, %scan3A_188 : i32
        %get3A_195 = arith.index_cast %add3A_194 : i32 to index
        %get3A_196 = arith.constant 0 : index
        %get3A_197 = tpu.vector_load %arg8[%get3A_195, %get3A_196] {strides = array<i32>} : memref<400x64xf32, #tpu.memory_space<vmem>>, vector<1x16xf32>,
        %get3A_198 = vector.shape_cast %get3A_197 : vector<1x16xf32> to vector<16xf32>
        %add3A_199 = arith.addf %get3A_198, %get3A_192 : vector<16xf32>
        %swap3A_200 = arith.index_cast %add3A_194 : i32 to index
        %swap3A_201 = arith.constant 0 : index
        %swap3A_202 = tpu.vector_load %arg8[%swap3A_200, %swap3A_201] {strides = array<i32>} : memref<400x64xf32, #tpu.memory_space<vmem>>, vector<1x16xf32>,
        %swap3A_203 = vector.shape_cast %swap3A_202 : vector<1x16xf32> to vector<16xf32>
        %swap3A_204 = vector.shape_cast %add3A_199 : vector<16xf32> to vector<1x16xf32>
        tpu.vector_store %arg8[%swap3A_200, %swap3A_201], %swap3A_204 {strides = array<i32>} : memref<400x64xf32, #tpu.memory_space<vmem>>, vector<1x16xf32>,
        %add3A_205 = arith.constant 200 : i32
        %add3A_206 = arith.addi %add3A_205, %scan3A_188 : i32
        %get3A_207 = arith.index_cast %add3A_206 : i32 to index
        %get3A_208 = arith.constant 0 : index
        %get3A_209 = tpu.vector_load %arg8[%get3A_207, %get3A_208] {strides = array<i32>} : memref<400x64xf32, #tpu.memory_space<vmem>>, vector<1x16xf32>,
        %get3A_210 = vector.shape_cast %get3A_209 : vector<1x16xf32> to vector<16xf32>
        %add3A_211 = arith.addf %get3A_210, %get3A_192 : vector<16xf32>
        %swap3A_212 = arith.index_cast %add3A_206 : i32 to index
        %swap3A_213 = arith.constant 0 : index
        %swap3A_214 = tpu.vector_load %arg8[%swap3A_212, %swap3A_213] {strides = array<i32>} : memref<400x64xf32, #tpu.memory_space<vmem>>, vector<1x16xf32>,
        %swap3A_215 = vector.shape_cast %swap3A_214 : vector<1x16xf32> to vector<16xf32>
        %swap3A_216 = vector.shape_cast %add3A_211 : vector<16xf32> to vector<1x16xf32>
        tpu.vector_store %arg8[%swap3A_212, %swap3A_213], %swap3A_216 {strides = array<i32>} : memref<400x64xf32, #tpu.memory_space<vmem>>, vector<1x16xf32>,
        %get3A_217 = arith.index_cast %scan3A_188 : i32 to index
        %get3A_218 = arith.constant 16 : index
        %get3A_219 = tpu.vector_load %arg7[%get3A_217, %get3A_218] {strides = array<i32>} : memref<200x64xf32, #tpu.memory_space<vmem>>, vector<1x16xf32>,
        %get3A_220 = vector.shape_cast %get3A_219 : vector<1x16xf32> to vector<16xf32>
        %add3A_221 = arith.constant 0 : i32
        %add3A_222 = arith.addi %add3A_221, %scan3A_188 : i32
        %get3A_223 = arith.index_cast %add3A_222 : i32 to index
        %get3A_224 = arith.constant 16 : index
        %get3A_225 = tpu.vector_load %arg8[%get3A_223, %get3A_224] {strides = array<i32>} : memref<400x64xf32, #tpu.memory_space<vmem>>, vector<1x16xf32>,
        %get3A_226 = vector.shape_cast %get3A_225 : vector<1x16xf32> to vector<16xf32>
        %add3A_227 = arith.addf %get3A_226, %get3A_220 : vector<16xf32>
        %swap3A_228 = arith.index_cast %add3A_222 : i32 to index
        %swap3A_229 = arith.constant 16 : index
        %swap3A_230 = tpu.vector_load %arg8[%swap3A_228, %swap3A_229] {strides = array<i32>} : memref<400x64xf32, #tpu.memory_space<vmem>>, vector<1x16xf32>,
        %swap3A_231 = vector.shape_cast %swap3A_230 : vector<1x16xf32> to vector<16xf32>
        %swap3A_232 = vector.shape_cast %add3A_227 : vector<16xf32> to vector<1x16xf32>
        tpu.vector_store %arg8[%swap3A_228, %swap3A_229], %swap3A_232 {strides = array<i32>} : memref<400x64xf32, #tpu.memory_space<vmem>>, vector<1x16xf32>,
        %add3A_233 = arith.constant 200 : i32
        %add3A_234 = arith.addi %add3A_233, %scan3A_188 : i32
        %get3A_235 = arith.index_cast %add3A_234 : i32 to index
        %get3A_236 = arith.constant 16 : index
        %get3A_237 = tpu.vector_load %arg8[%get3A_235, %get3A_236] {strides = array<i32>} : memref<400x64xf32, #tpu.memory_space<vmem>>, vector<1x16xf32>,
        %get3A_238 = vector.shape_cast %get3A_237 : vector<1x16xf32> to vector<16xf32>
        %add3A_239 = arith.addf %get3A_238, %get3A_220 : vector<16xf32>
        %swap3A_240 = arith.index_cast %add3A_234 : i32 to index
        %swap3A_241 = arith.constant 16 : index
        %swap3A_242 = tpu.vector_load %arg8[%swap3A_240, %swap3A_241] {strides = array<i32>} : memref<400x64xf32, #tpu.memory_space<vmem>>, vector<1x16xf32>,
        %swap3A_243 = vector.shape_cast %swap3A_242 : vector<1x16xf32> to vector<16xf32>
        %swap3A_244 = vector.shape_cast %add3A_239 : vector<16xf32> to vector<1x16xf32>
        tpu.vector_store %arg8[%swap3A_240, %swap3A_241], %swap3A_244 {strides = array<i32>} : memref<400x64xf32, #tpu.memory_space<vmem>>, vector<1x16xf32>,
        %get3A_245 = arith.index_cast %scan3A_188 : i32 to index
        %get3A_246 = arith.constant 32 : index
        %get3A_247 = tpu.vector_load %arg7[%get3A_245, %get3A_246] {strides = array<i32>} : memref<200x64xf32, #tpu.memory_space<vmem>>, vector<1x16xf32>,
        %get3A_248 = vector.shape_cast %get3A_247 : vector<1x16xf32> to vector<16xf32>
        %add3A_249 = arith.constant 0 : i32
        %add3A_250 = arith.addi %add3A_249, %scan3A_188 : i32
        %get3A_251 = arith.index_cast %add3A_250 : i32 to index
        %get3A_252 = arith.constant 32 : index
        %get3A_253 = tpu.vector_load %arg8[%get3A_251, %get3A_252] {strides = array<i32>} : memref<400x64xf32, #tpu.memory_space<vmem>>, vector<1x16xf32>,
        %get3A_254 = vector.shape_cast %get3A_253 : vector<1x16xf32> to vector<16xf32>
        %add3A_255 = arith.addf %get3A_254, %get3A_248 : vector<16xf32>
        %swap3A_256 = arith.index_cast %add3A_250 : i32 to index
        %swap3A_257 = arith.constant 32 : index
        %swap3A_258 = tpu.vector_load %arg8[%swap3A_256, %swap3A_257] {strides = array<i32>} : memref<400x64xf32, #tpu.memory_space<vmem>>, vector<1x16xf32>,
        %swap3A_259 = vector.shape_cast %swap3A_258 : vector<1x16xf32> to vector<16xf32>
        %swap3A_260 = vector.shape_cast %add3A_255 : vector<16xf32> to vector<1x16xf32>
        tpu.vector_store %arg8[%swap3A_256, %swap3A_257], %swap3A_260 {strides = array<i32>} : memref<400x64xf32, #tpu.memory_space<vmem>>, vector<1x16xf32>,
        %add3A_261 = arith.constant 200 : i32
        %add3A_262 = arith.addi %add3A_261, %scan3A_188 : i32
        %get3A_263 = arith.index_cast %add3A_262 : i32 to index
        %get3A_264 = arith.constant 32 : index
        %get3A_265 = tpu.vector_load %arg8[%get3A_263, %get3A_264] {strides = array<i32>} : memref<400x64xf32, #tpu.memory_space<vmem>>, vector<1x16xf32>,
        %get3A_266 = vector.shape_cast %get3A_265 : vector<1x16xf32> to vector<16xf32>
        %add3A_267 = arith.addf %get3A_266, %get3A_248 : vector<16xf32>
        %swap3A_268 = arith.index_cast %add3A_262 : i32 to index
        %swap3A_269 = arith.constant 32 : index
        %swap3A_270 = tpu.vector_load %arg8[%swap3A_268, %swap3A_269] {strides = array<i32>} : memref<400x64xf32, #tpu.memory_space<vmem>>, vector<1x16xf32>,
        %swap3A_271 = vector.shape_cast %swap3A_270 : vector<1x16xf32> to vector<16xf32>
        %swap3A_272 = vector.shape_cast %add3A_267 : vector<16xf32> to vector<1x16xf32>
        tpu.vector_store %arg8[%swap3A_268, %swap3A_269], %swap3A_272 {strides = array<i32>} : memref<400x64xf32, #tpu.memory_space<vmem>>, vector<1x16xf32>,
        %get3A_273 = arith.index_cast %scan3A_188 : i32 to index
        %get3A_274 = arith.constant 48 : index
        %get3A_275 = tpu.vector_load %arg7[%get3A_273, %get3A_274] {strides = array<i32>} : memref<200x64xf32, #tpu.memory_space<vmem>>, vector<1x16xf32>,
        %get3A_276 = vector.shape_cast %get3A_275 : vector<1x16xf32> to vector<16xf32>
        %add3A_277 = arith.constant 0 : i32
        %add3A_278 = arith.addi %add3A_277, %scan3A_188 : i32
        %get3A_279 = arith.index_cast %add3A_278 : i32 to index
        %get3A_280 = arith.constant 48 : index
        %get3A_281 = tpu.vector_load %arg8[%get3A_279, %get3A_280] {strides = array<i32>} : memref<400x64xf32, #tpu.memory_space<vmem>>, vector<1x16xf32>,
        %get3A_282 = vector.shape_cast %get3A_281 : vector<1x16xf32> to vector<16xf32>
        %add3A_283 = arith.addf %get3A_282, %get3A_276 : vector<16xf32>
        %swap3A_284 = arith.index_cast %add3A_278 : i32 to index
        %swap3A_285 = arith.constant 48 : index
        %swap3A_286 = tpu.vector_load %arg8[%swap3A_284, %swap3A_285] {strides = array<i32>} : memref<400x64xf32, #tpu.memory_space<vmem>>, vector<1x16xf32>,
        %swap3A_287 = vector.shape_cast %swap3A_286 : vector<1x16xf32> to vector<16xf32>
        %swap3A_288 = vector.shape_cast %add3A_283 : vector<16xf32> to vector<1x16xf32>
        tpu.vector_store %arg8[%swap3A_284, %swap3A_285], %swap3A_288 {strides = array<i32>} : memref<400x64xf32, #tpu.memory_space<vmem>>, vector<1x16xf32>,
        %add3A_289 = arith.constant 200 : i32
        %add3A_290 = arith.addi %add3A_289, %scan3A_188 : i32
        %get3A_291 = arith.index_cast %add3A_290 : i32 to index
        %get3A_292 = arith.constant 48 : index
        %get3A_293 = tpu.vector_load %arg8[%get3A_291, %get3A_292] {strides = array<i32>} : memref<400x64xf32, #tpu.memory_space<vmem>>, vector<1x16xf32>,
        %get3A_294 = vector.shape_cast %get3A_293 : vector<1x16xf32> to vector<16xf32>
        %add3A_295 = arith.addf %get3A_294, %get3A_276 : vector<16xf32>
        %swap3A_296 = arith.index_cast %add3A_290 : i32 to index
        %swap3A_297 = arith.constant 48 : index
        %swap3A_298 = tpu.vector_load %arg8[%swap3A_296, %swap3A_297] {strides = array<i32>} : memref<400x64xf32, #tpu.memory_space<vmem>>, vector<1x16xf32>,
        %swap3A_299 = vector.shape_cast %swap3A_298 : vector<1x16xf32> to vector<16xf32>
        %swap3A_300 = vector.shape_cast %add3A_295 : vector<16xf32> to vector<1x16xf32>
        tpu.vector_store %arg8[%swap3A_296, %swap3A_297], %swap3A_300 {strides = array<i32>} : memref<400x64xf32, #tpu.memory_space<vmem>>, vector<1x16xf32>,
      }
      %scan3A_39 = arith.constant 200 : i32
      %mul3A_40 = arith.constant 400 : i32
      %mul3A_41 = arith.muli %add3A_28, %mul3A_40 : i32
      %add3A_42 = arith.addi %mul3A_2, %mul3A_41 : i32
      %dma_start3A_43 = arith.constant 0 : i32
      %dma_start3A_44 = tpu.memref_slice %arg5[%add3A_42, %dma_start3A_43] : memref<819200x64xf32, #tpu.memory_space<hbm>> -> memref<400x64xf32, #tpu.memory_space<hbm>>
      %dma_start3A_45 = arith.constant 0 : i32
      %dma_start3A_46 = tpu.memref_slice %arg5[%add3A_42, %dma_start3A_45] : memref<819200x64xf32, #tpu.memory_space<hbm>> -> memref<400x64xf32, #tpu.memory_space<hbm>>
      tpu.enqueue_dma source(%arg8 : memref<400x64xf32, #tpu.memory_space<vmem>>) target(%dma_start3A_46 : memref<400x64xf32, #tpu.memory_space<hbm>>) target_semaphore(%arg12 : memref<!tpu.dma_semaphore, #tpu.memory_space<semaphore_mem>>)
      %lt3A = arith.constant 31 : i32
      %lt3A_47 = arith.cmpi slt, %scan3A_24, %lt3A : i32
      %convert_element_type3A = arith.extui %lt3A_47 : i1 to i32
      %cond3A = arith.constant 0 : i32
      %cond3A_48 = arith.cmpi ne, %convert_element_type3A, %cond3A : i32
      scf.if %cond3A_48 {
        %dma_wait3A_76 = arith.constant 0 : i32
        %dma_wait3A_77 = tpu.memref_slice %arg5[%mul3A_2, %dma_wait3A_76] : memref<819200x64xf32, #tpu.memory_space<hbm>> -> memref<400x64xf32, #tpu.memory_space<hbm>>
        %dma_wait3A_78 = arith.constant 0 : i32
        %dma_wait3A_79 = tpu.memref_slice %arg5[%mul3A_2, %dma_wait3A_78] : memref<819200x64xf32, #tpu.memory_space<hbm>> -> memref<400x64xf32, #tpu.memory_space<hbm>>
        tpu.wait_dma2 semaphore(%arg12 : memref<!tpu.dma_semaphore, #tpu.memory_space<semaphore_mem>>) src(%arg8 : memref<400x64xf32, #tpu.memory_space<vmem>>) dst(%dma_wait3A_79 : memref<400x64xf32, #tpu.memory_space<hbm>>)
        %add3A_80 = arith.constant 2 : i32
        %add3A_81 = arith.addi %add3A_28, %add3A_80 : i32
        %mul3A_82 = arith.constant 400 : i32
        %mul3A_83 = arith.muli %add3A_81, %mul3A_82 : i32
        %dma_start3A_84 = tpu.memref_slice %arg6[%mul3A_83] : memref<25600xi32, #tpu.memory_space<vmem>> -> memref<400xi32, #tpu.memory_space<vmem>>
        %dma_start3A_85 = arith.constant 0 : i32
        %dma_start3A_86 = arith.constant 0 : i32
        %dma_start3A_87 = tpu.memref_slice %arg4[%dma_start3A_85, %dma_start3A_86] : memref<100000x64xf32, #tpu.memory_space<hbm>> -> memref<100000x64xf32, #tpu.memory_space<hbm>>
        tpu.enqueue_indirect_dma source(%dma_start3A_87 : memref<100000x64xf32, #tpu.memory_space<hbm>>) target(%arg8 : memref<400x64xf32, #tpu.memory_space<vmem>>) offsets(%dma_start3A_84 : memref<400xi32, #tpu.memory_space<vmem>>) semaphore(%arg10 : memref<!tpu.dma_semaphore, #tpu.memory_space<semaphore_mem>>)
      } else {
      }
      %mul3A_49 = arith.constant 2 : i32
      %mul3A_50 = arith.muli %scan3A_24, %mul3A_49 : i32
      %add3A_51 = arith.constant 1 : i32
      %add3A_52 = arith.addi %mul3A_50, %add3A_51 : i32
      %dma_wait3A_53 = arith.constant 0 : i32
      %dma_wait3A_54 = tpu.memref_slice %arg6[%dma_wait3A_53] : memref<25600xi32, #tpu.memory_space<vmem>> -> memref<400xi32, #tpu.memory_space<vmem>>
      %dma_wait3A_55 = arith.constant 0 : i32
      %dma_wait3A_56 = arith.constant 0 : i32
      %dma_wait3A_57 = tpu.memref_slice %arg4[%dma_wait3A_55, %dma_wait3A_56] : memref<100000x64xf32, #tpu.memory_space<hbm>> -> memref<100000x64xf32, #tpu.memory_space<hbm>>
      tpu.wait_indirect_dma semaphore(%arg11 : memref<!tpu.dma_semaphore, #tpu.memory_space<semaphore_mem>>) src(%dma_wait3A_57 : memref<100000x64xf32, #tpu.memory_space<hbm>>) dst(%arg9 : memref<400x64xf32, #tpu.memory_space<vmem>>)
      %scan3A_58 = arith.constant 0 : i32
      %scan3A_59 = arith.constant 0 : i32
      %scan3A_60 = arith.constant 200 : i32
      %scan3A_61 = arith.addi %scan3A_59, %scan3A_60 : i32
      %scan3A_62 = arith.constant 2 : i32
      scf.for %scan3A_76 = %scan3A_59 to %scan3A_61 step %scan3A_62  : i32 {
        %get3A = arith.index_cast %scan3A_76 : i32 to index
        %get3A_77 = arith.constant 0 : index
        %get3A_78 = tpu.vector_load %arg7[%get3A, %get3A_77] {strides = array<i32>} : memref<200x64xf32, #tpu.memory_space<vmem>>, vector<1x16xf32>,
        %get3A_79 = vector.shape_cast %get3A_78 : vector<1x16xf32> to vector<16xf32>
        %add3A_80 = arith.constant 0 : i32
        %add3A_81 = arith.addi %add3A_80, %scan3A_76 : i32
        %get3A_82 = arith.index_cast %add3A_81 : i32 to index
        %get3A_83 = arith.constant 0 : index
        %get3A_84 = tpu.vector_load %arg9[%get3A_82, %get3A_83] {strides = array<i32>} : memref<400x64xf32, #tpu.memory_space<vmem>>, vector<1x16xf32>,
        %get3A_85 = vector.shape_cast %get3A_84 : vector<1x16xf32> to vector<16xf32>
        %add3A_86 = arith.addf %get3A_85, %get3A_79 : vector<16xf32>
        %swap3A = arith.index_cast %add3A_81 : i32 to index
        %swap3A_87 = arith.constant 0 : index
        %swap3A_88 = tpu.vector_load %arg9[%swap3A, %swap3A_87] {strides = array<i32>} : memref<400x64xf32, #tpu.memory_space<vmem>>, vector<1x16xf32>,
        %swap3A_89 = vector.shape_cast %swap3A_88 : vector<1x16xf32> to vector<16xf32>
        %swap3A_90 = vector.shape_cast %add3A_86 : vector<16xf32> to vector<1x16xf32>
        tpu.vector_store %arg9[%swap3A, %swap3A_87], %swap3A_90 {strides = array<i32>} : memref<400x64xf32, #tpu.memory_space<vmem>>, vector<1x16xf32>,
        %add3A_91 = arith.constant 200 : i32
        %add3A_92 = arith.addi %add3A_91, %scan3A_76 : i32
        %get3A_93 = arith.index_cast %add3A_92 : i32 to index
        %get3A_94 = arith.constant 0 : index
        %get3A_95 = tpu.vector_load %arg9[%get3A_93, %get3A_94] {strides = array<i32>} : memref<400x64xf32, #tpu.memory_space<vmem>>, vector<1x16xf32>,
        %get3A_96 = vector.shape_cast %get3A_95 : vector<1x16xf32> to vector<16xf32>
        %add3A_97 = arith.addf %get3A_96, %get3A_79 : vector<16xf32>
        %swap3A_98 = arith.index_cast %add3A_92 : i32 to index
        %swap3A_99 = arith.constant 0 : index
        %swap3A_100 = tpu.vector_load %arg9[%swap3A_98, %swap3A_99] {strides = array<i32>} : memref<400x64xf32, #tpu.memory_space<vmem>>, vector<1x16xf32>,
        %swap3A_101 = vector.shape_cast %swap3A_100 : vector<1x16xf32> to vector<16xf32>
        %swap3A_102 = vector.shape_cast %add3A_97 : vector<16xf32> to vector<1x16xf32>
        tpu.vector_store %arg9[%swap3A_98, %swap3A_99], %swap3A_102 {strides = array<i32>} : memref<400x64xf32, #tpu.memory_space<vmem>>, vector<1x16xf32>,
        %get3A_103 = arith.index_cast %scan3A_76 : i32 to index
        %get3A_104 = arith.constant 16 : index
        %get3A_105 = tpu.vector_load %arg7[%get3A_103, %get3A_104] {strides = array<i32>} : memref<200x64xf32, #tpu.memory_space<vmem>>, vector<1x16xf32>,
        %get3A_106 = vector.shape_cast %get3A_105 : vector<1x16xf32> to vector<16xf32>
        %add3A_107 = arith.constant 0 : i32
        %add3A_108 = arith.addi %add3A_107, %scan3A_76 : i32
        %get3A_109 = arith.index_cast %add3A_108 : i32 to index
        %get3A_110 = arith.constant 16 : index
        %get3A_111 = tpu.vector_load %arg9[%get3A_109, %get3A_110] {strides = array<i32>} : memref<400x64xf32, #tpu.memory_space<vmem>>, vector<1x16xf32>,
        %get3A_112 = vector.shape_cast %get3A_111 : vector<1x16xf32> to vector<16xf32>
        %add3A_113 = arith.addf %get3A_112, %get3A_106 : vector<16xf32>
        %swap3A_114 = arith.index_cast %add3A_108 : i32 to index
        %swap3A_115 = arith.constant 16 : index
        %swap3A_116 = tpu.vector_load %arg9[%swap3A_114, %swap3A_115] {strides = array<i32>} : memref<400x64xf32, #tpu.memory_space<vmem>>, vector<1x16xf32>,
        %swap3A_117 = vector.shape_cast %swap3A_116 : vector<1x16xf32> to vector<16xf32>
        %swap3A_118 = vector.shape_cast %add3A_113 : vector<16xf32> to vector<1x16xf32>
        tpu.vector_store %arg9[%swap3A_114, %swap3A_115], %swap3A_118 {strides = array<i32>} : memref<400x64xf32, #tpu.memory_space<vmem>>, vector<1x16xf32>,
        %add3A_119 = arith.constant 200 : i32
        %add3A_120 = arith.addi %add3A_119, %scan3A_76 : i32
        %get3A_121 = arith.index_cast %add3A_120 : i32 to index
        %get3A_122 = arith.constant 16 : index
        %get3A_123 = tpu.vector_load %arg9[%get3A_121, %get3A_122] {strides = array<i32>} : memref<400x64xf32, #tpu.memory_space<vmem>>, vector<1x16xf32>,
        %get3A_124 = vector.shape_cast %get3A_123 : vector<1x16xf32> to vector<16xf32>
        %add3A_125 = arith.addf %get3A_124, %get3A_106 : vector<16xf32>
        %swap3A_126 = arith.index_cast %add3A_120 : i32 to index
        %swap3A_127 = arith.constant 16 : index
        %swap3A_128 = tpu.vector_load %arg9[%swap3A_126, %swap3A_127] {strides = array<i32>} : memref<400x64xf32, #tpu.memory_space<vmem>>, vector<1x16xf32>,
        %swap3A_129 = vector.shape_cast %swap3A_128 : vector<1x16xf32> to vector<16xf32>
        %swap3A_130 = vector.shape_cast %add3A_125 : vector<16xf32> to vector<1x16xf32>
        tpu.vector_store %arg9[%swap3A_126, %swap3A_127], %swap3A_130 {strides = array<i32>} : memref<400x64xf32, #tpu.memory_space<vmem>>, vector<1x16xf32>,
        %get3A_131 = arith.index_cast %scan3A_76 : i32 to index
        %get3A_132 = arith.constant 32 : index
        %get3A_133 = tpu.vector_load %arg7[%get3A_131, %get3A_132] {strides = array<i32>} : memref<200x64xf32, #tpu.memory_space<vmem>>, vector<1x16xf32>,
        %get3A_134 = vector.shape_cast %get3A_133 : vector<1x16xf32> to vector<16xf32>
        %add3A_135 = arith.constant 0 : i32
        %add3A_136 = arith.addi %add3A_135, %scan3A_76 : i32
        %get3A_137 = arith.index_cast %add3A_136 : i32 to index
        %get3A_138 = arith.constant 32 : index
        %get3A_139 = tpu.vector_load %arg9[%get3A_137, %get3A_138] {strides = array<i32>} : memref<400x64xf32, #tpu.memory_space<vmem>>, vector<1x16xf32>,
        %get3A_140 = vector.shape_cast %get3A_139 : vector<1x16xf32> to vector<16xf32>
        %add3A_141 = arith.addf %get3A_140, %get3A_134 : vector<16xf32>
        %swap3A_142 = arith.index_cast %add3A_136 : i32 to index
        %swap3A_143 = arith.constant 32 : index
        %swap3A_144 = tpu.vector_load %arg9[%swap3A_142, %swap3A_143] {strides = array<i32>} : memref<400x64xf32, #tpu.memory_space<vmem>>, vector<1x16xf32>,
        %swap3A_145 = vector.shape_cast %swap3A_144 : vector<1x16xf32> to vector<16xf32>
        %swap3A_146 = vector.shape_cast %add3A_141 : vector<16xf32> to vector<1x16xf32>
        tpu.vector_store %arg9[%swap3A_142, %swap3A_143], %swap3A_146 {strides = array<i32>} : memref<400x64xf32, #tpu.memory_space<vmem>>, vector<1x16xf32>,
        %add3A_147 = arith.constant 200 : i32
        %add3A_148 = arith.addi %add3A_147, %scan3A_76 : i32
        %get3A_149 = arith.index_cast %add3A_148 : i32 to index
        %get3A_150 = arith.constant 32 : index
        %get3A_151 = tpu.vector_load %arg9[%get3A_149, %get3A_150] {strides = array<i32>} : memref<400x64xf32, #tpu.memory_space<vmem>>, vector<1x16xf32>,
        %get3A_152 = vector.shape_cast %get3A_151 : vector<1x16xf32> to vector<16xf32>
        %add3A_153 = arith.addf %get3A_152, %get3A_134 : vector<16xf32>
        %swap3A_154 = arith.index_cast %add3A_148 : i32 to index
        %swap3A_155 = arith.constant 32 : index
        %swap3A_156 = tpu.vector_load %arg9[%swap3A_154, %swap3A_155] {strides = array<i32>} : memref<400x64xf32, #tpu.memory_space<vmem>>, vector<1x16xf32>,
        %swap3A_157 = vector.shape_cast %swap3A_156 : vector<1x16xf32> to vector<16xf32>
        %swap3A_158 = vector.shape_cast %add3A_153 : vector<16xf32> to vector<1x16xf32>
        tpu.vector_store %arg9[%swap3A_154, %swap3A_155], %swap3A_158 {strides = array<i32>} : memref<400x64xf32, #tpu.memory_space<vmem>>, vector<1x16xf32>,
        %get3A_159 = arith.index_cast %scan3A_76 : i32 to index
        %get3A_160 = arith.constant 48 : index
        %get3A_161 = tpu.vector_load %arg7[%get3A_159, %get3A_160] {strides = array<i32>} : memref<200x64xf32, #tpu.memory_space<vmem>>, vector<1x16xf32>,
        %get3A_162 = vector.shape_cast %get3A_161 : vector<1x16xf32> to vector<16xf32>
        %add3A_163 = arith.constant 0 : i32
        %add3A_164 = arith.addi %add3A_163, %scan3A_76 : i32
        %get3A_165 = arith.index_cast %add3A_164 : i32 to index
        %get3A_166 = arith.constant 48 : index
        %get3A_167 = tpu.vector_load %arg9[%get3A_165, %get3A_166] {strides = array<i32>} : memref<400x64xf32, #tpu.memory_space<vmem>>, vector<1x16xf32>,
        %get3A_168 = vector.shape_cast %get3A_167 : vector<1x16xf32> to vector<16xf32>
        %add3A_169 = arith.addf %get3A_168, %get3A_162 : vector<16xf32>
        %swap3A_170 = arith.index_cast %add3A_164 : i32 to index
        %swap3A_171 = arith.constant 48 : index
        %swap3A_172 = tpu.vector_load %arg9[%swap3A_170, %swap3A_171] {strides = array<i32>} : memref<400x64xf32, #tpu.memory_space<vmem>>, vector<1x16xf32>,
        %swap3A_173 = vector.shape_cast %swap3A_172 : vector<1x16xf32> to vector<16xf32>
        %swap3A_174 = vector.shape_cast %add3A_169 : vector<16xf32> to vector<1x16xf32>
        tpu.vector_store %arg9[%swap3A_170, %swap3A_171], %swap3A_174 {strides = array<i32>} : memref<400x64xf32, #tpu.memory_space<vmem>>, vector<1x16xf32>,
        %add3A_175 = arith.constant 200 : i32
        %add3A_176 = arith.addi %add3A_175, %scan3A_76 : i32
        %get3A_177 = arith.index_cast %add3A_176 : i32 to index
        %get3A_178 = arith.constant 48 : index
        %get3A_179 = tpu.vector_load %arg9[%get3A_177, %get3A_178] {strides = array<i32>} : memref<400x64xf32, #tpu.memory_space<vmem>>, vector<1x16xf32>,
        %get3A_180 = vector.shape_cast %get3A_179 : vector<1x16xf32> to vector<16xf32>
        %add3A_181 = arith.addf %get3A_180, %get3A_162 : vector<16xf32>
        %swap3A_182 = arith.index_cast %add3A_176 : i32 to index
        %swap3A_183 = arith.constant 48 : index
        %swap3A_184 = tpu.vector_load %arg9[%swap3A_182, %swap3A_183] {strides = array<i32>} : memref<400x64xf32, #tpu.memory_space<vmem>>, vector<1x16xf32>,
        %swap3A_185 = vector.shape_cast %swap3A_184 : vector<1x16xf32> to vector<16xf32>
        %swap3A_186 = vector.shape_cast %add3A_181 : vector<16xf32> to vector<1x16xf32>
        tpu.vector_store %arg9[%swap3A_182, %swap3A_183], %swap3A_186 {strides = array<i32>} : memref<400x64xf32, #tpu.memory_space<vmem>>, vector<1x16xf32>,
        %scan3A_187 = arith.constant 1 : i32
        %scan3A_188 = arith.addi %scan3A_76, %scan3A_187 : i32
        %get3A_189 = arith.index_cast %scan3A_188 : i32 to index
        %get3A_190 = arith.constant 0 : index
        %get3A_191 = tpu.vector_load %arg7[%get3A_189, %get3A_190] {strides = array<i32>} : memref<200x64xf32, #tpu.memory_space<vmem>>, vector<1x16xf32>,
        %get3A_192 = vector.shape_cast %get3A_191 : vector<1x16xf32> to vector<16xf32>
        %add3A_193 = arith.constant 0 : i32
        %add3A_194 = arith.addi %add3A_193, %scan3A_188 : i32
        %get3A_195 = arith.index_cast %add3A_194 : i32 to index
        %get3A_196 = arith.constant 0 : index
        %get3A_197 = tpu.vector_load %arg9[%get3A_195, %get3A_196] {strides = array<i32>} : memref<400x64xf32, #tpu.memory_space<vmem>>, vector<1x16xf32>,
        %get3A_198 = vector.shape_cast %get3A_197 : vector<1x16xf32> to vector<16xf32>
        %add3A_199 = arith.addf %get3A_198, %get3A_192 : vector<16xf32>
        %swap3A_200 = arith.index_cast %add3A_194 : i32 to index
        %swap3A_201 = arith.constant 0 : index
        %swap3A_202 = tpu.vector_load %arg9[%swap3A_200, %swap3A_201] {strides = array<i32>} : memref<400x64xf32, #tpu.memory_space<vmem>>, vector<1x16xf32>,
        %swap3A_203 = vector.shape_cast %swap3A_202 : vector<1x16xf32> to vector<16xf32>
        %swap3A_204 = vector.shape_cast %add3A_199 : vector<16xf32> to vector<1x16xf32>
        tpu.vector_store %arg9[%swap3A_200, %swap3A_201], %swap3A_204 {strides = array<i32>} : memref<400x64xf32, #tpu.memory_space<vmem>>, vector<1x16xf32>,
        %add3A_205 = arith.constant 200 : i32
        %add3A_206 = arith.addi %add3A_205, %scan3A_188 : i32
        %get3A_207 = arith.index_cast %add3A_206 : i32 to index
        %get3A_208 = arith.constant 0 : index
        %get3A_209 = tpu.vector_load %arg9[%get3A_207, %get3A_208] {strides = array<i32>} : memref<400x64xf32, #tpu.memory_space<vmem>>, vector<1x16xf32>,
        %get3A_210 = vector.shape_cast %get3A_209 : vector<1x16xf32> to vector<16xf32>
        %add3A_211 = arith.addf %get3A_210, %get3A_192 : vector<16xf32>
        %swap3A_212 = arith.index_cast %add3A_206 : i32 to index
        %swap3A_213 = arith.constant 0 : index
        %swap3A_214 = tpu.vector_load %arg9[%swap3A_212, %swap3A_213] {strides = array<i32>} : memref<400x64xf32, #tpu.memory_space<vmem>>, vector<1x16xf32>,
        %swap3A_215 = vector.shape_cast %swap3A_214 : vector<1x16xf32> to vector<16xf32>
        %swap3A_216 = vector.shape_cast %add3A_211 : vector<16xf32> to vector<1x16xf32>
        tpu.vector_store %arg9[%swap3A_212, %swap3A_213], %swap3A_216 {strides = array<i32>} : memref<400x64xf32, #tpu.memory_space<vmem>>, vector<1x16xf32>,
        %get3A_217 = arith.index_cast %scan3A_188 : i32 to index
        %get3A_218 = arith.constant 16 : index
        %get3A_219 = tpu.vector_load %arg7[%get3A_217, %get3A_218] {strides = array<i32>} : memref<200x64xf32, #tpu.memory_space<vmem>>, vector<1x16xf32>,
        %get3A_220 = vector.shape_cast %get3A_219 : vector<1x16xf32> to vector<16xf32>
        %add3A_221 = arith.constant 0 : i32
        %add3A_222 = arith.addi %add3A_221, %scan3A_188 : i32
        %get3A_223 = arith.index_cast %add3A_222 : i32 to index
        %get3A_224 = arith.constant 16 : index
        %get3A_225 = tpu.vector_load %arg9[%get3A_223, %get3A_224] {strides = array<i32>} : memref<400x64xf32, #tpu.memory_space<vmem>>, vector<1x16xf32>,
        %get3A_226 = vector.shape_cast %get3A_225 : vector<1x16xf32> to vector<16xf32>
        %add3A_227 = arith.addf %get3A_226, %get3A_220 : vector<16xf32>
        %swap3A_228 = arith.index_cast %add3A_222 : i32 to index
        %swap3A_229 = arith.constant 16 : index
        %swap3A_230 = tpu.vector_load %arg9[%swap3A_228, %swap3A_229] {strides = array<i32>} : memref<400x64xf32, #tpu.memory_space<vmem>>, vector<1x16xf32>,
        %swap3A_231 = vector.shape_cast %swap3A_230 : vector<1x16xf32> to vector<16xf32>
        %swap3A_232 = vector.shape_cast %add3A_227 : vector<16xf32> to vector<1x16xf32>
        tpu.vector_store %arg9[%swap3A_228, %swap3A_229], %swap3A_232 {strides = array<i32>} : memref<400x64xf32, #tpu.memory_space<vmem>>, vector<1x16xf32>,
        %add3A_233 = arith.constant 200 : i32
        %add3A_234 = arith.addi %add3A_233, %scan3A_188 : i32
        %get3A_235 = arith.index_cast %add3A_234 : i32 to index
        %get3A_236 = arith.constant 16 : index
        %get3A_237 = tpu.vector_load %arg9[%get3A_235, %get3A_236] {strides = array<i32>} : memref<400x64xf32, #tpu.memory_space<vmem>>, vector<1x16xf32>,
        %get3A_238 = vector.shape_cast %get3A_237 : vector<1x16xf32> to vector<16xf32>
        %add3A_239 = arith.addf %get3A_238, %get3A_220 : vector<16xf32>
        %swap3A_240 = arith.index_cast %add3A_234 : i32 to index
        %swap3A_241 = arith.constant 16 : index
        %swap3A_242 = tpu.vector_load %arg9[%swap3A_240, %swap3A_241] {strides = array<i32>} : memref<400x64xf32, #tpu.memory_space<vmem>>, vector<1x16xf32>,
        %swap3A_243 = vector.shape_cast %swap3A_242 : vector<1x16xf32> to vector<16xf32>
        %swap3A_244 = vector.shape_cast %add3A_239 : vector<16xf32> to vector<1x16xf32>
        tpu.vector_store %arg9[%swap3A_240, %swap3A_241], %swap3A_244 {strides = array<i32>} : memref<400x64xf32, #tpu.memory_space<vmem>>, vector<1x16xf32>,
        %get3A_245 = arith.index_cast %scan3A_188 : i32 to index
        %get3A_246 = arith.constant 32 : index
        %get3A_247 = tpu.vector_load %arg7[%get3A_245, %get3A_246] {strides = array<i32>} : memref<200x64xf32, #tpu.memory_space<vmem>>, vector<1x16xf32>,
        %get3A_248 = vector.shape_cast %get3A_247 : vector<1x16xf32> to vector<16xf32>
        %add3A_249 = arith.constant 0 : i32
        %add3A_250 = arith.addi %add3A_249, %scan3A_188 : i32
        %get3A_251 = arith.index_cast %add3A_250 : i32 to index
        %get3A_252 = arith.constant 32 : index
        %get3A_253 = tpu.vector_load %arg9[%get3A_251, %get3A_252] {strides = array<i32>} : memref<400x64xf32, #tpu.memory_space<vmem>>, vector<1x16xf32>,
        %get3A_254 = vector.shape_cast %get3A_253 : vector<1x16xf32> to vector<16xf32>
        %add3A_255 = arith.addf %get3A_254, %get3A_248 : vector<16xf32>
        %swap3A_256 = arith.index_cast %add3A_250 : i32 to index
        %swap3A_257 = arith.constant 32 : index
        %swap3A_258 = tpu.vector_load %arg9[%swap3A_256, %swap3A_257] {strides = array<i32>} : memref<400x64xf32, #tpu.memory_space<vmem>>, vector<1x16xf32>,
        %swap3A_259 = vector.shape_cast %swap3A_258 : vector<1x16xf32> to vector<16xf32>
        %swap3A_260 = vector.shape_cast %add3A_255 : vector<16xf32> to vector<1x16xf32>
        tpu.vector_store %arg9[%swap3A_256, %swap3A_257], %swap3A_260 {strides = array<i32>} : memref<400x64xf32, #tpu.memory_space<vmem>>, vector<1x16xf32>,
        %add3A_261 = arith.constant 200 : i32
        %add3A_262 = arith.addi %add3A_261, %scan3A_188 : i32
        %get3A_263 = arith.index_cast %add3A_262 : i32 to index
        %get3A_264 = arith.constant 32 : index
        %get3A_265 = tpu.vector_load %arg9[%get3A_263, %get3A_264] {strides = array<i32>} : memref<400x64xf32, #tpu.memory_space<vmem>>, vector<1x16xf32>,
        %get3A_266 = vector.shape_cast %get3A_265 : vector<1x16xf32> to vector<16xf32>
        %add3A_267 = arith.addf %get3A_266, %get3A_248 : vector<16xf32>
        %swap3A_268 = arith.index_cast %add3A_262 : i32 to index
        %swap3A_269 = arith.constant 32 : index
        %swap3A_270 = tpu.vector_load %arg9[%swap3A_268, %swap3A_269] {strides = array<i32>} : memref<400x64xf32, #tpu.memory_space<vmem>>, vector<1x16xf32>,
        %swap3A_271 = vector.shape_cast %swap3A_270 : vector<1x16xf32> to vector<16xf32>
        %swap3A_272 = vector.shape_cast %add3A_267 : vector<16xf32> to vector<1x16xf32>
        tpu.vector_store %arg9[%swap3A_268, %swap3A_269], %swap3A_272 {strides = array<i32>} : memref<400x64xf32, #tpu.memory_space<vmem>>, vector<1x16xf32>,
        %get3A_273 = arith.index_cast %scan3A_188 : i32 to index
        %get3A_274 = arith.constant 48 : index
        %get3A_275 = tpu.vector_load %arg7[%get3A_273, %get3A_274] {strides = array<i32>} : memref<200x64xf32, #tpu.memory_space<vmem>>, vector<1x16xf32>,
        %get3A_276 = vector.shape_cast %get3A_275 : vector<1x16xf32> to vector<16xf32>
        %add3A_277 = arith.constant 0 : i32
        %add3A_278 = arith.addi %add3A_277, %scan3A_188 : i32
        %get3A_279 = arith.index_cast %add3A_278 : i32 to index
        %get3A_280 = arith.constant 48 : index
        %get3A_281 = tpu.vector_load %arg9[%get3A_279, %get3A_280] {strides = array<i32>} : memref<400x64xf32, #tpu.memory_space<vmem>>, vector<1x16xf32>,
        %get3A_282 = vector.shape_cast %get3A_281 : vector<1x16xf32> to vector<16xf32>
        %add3A_283 = arith.addf %get3A_282, %get3A_276 : vector<16xf32>
        %swap3A_284 = arith.index_cast %add3A_278 : i32 to index
        %swap3A_285 = arith.constant 48 : index
        %swap3A_286 = tpu.vector_load %arg9[%swap3A_284, %swap3A_285] {strides = array<i32>} : memref<400x64xf32, #tpu.memory_space<vmem>>, vector<1x16xf32>,
        %swap3A_287 = vector.shape_cast %swap3A_286 : vector<1x16xf32> to vector<16xf32>
        %swap3A_288 = vector.shape_cast %add3A_283 : vector<16xf32> to vector<1x16xf32>
        tpu.vector_store %arg9[%swap3A_284, %swap3A_285], %swap3A_288 {strides = array<i32>} : memref<400x64xf32, #tpu.memory_space<vmem>>, vector<1x16xf32>,
        %add3A_289 = arith.constant 200 : i32
        %add3A_290 = arith.addi %add3A_289, %scan3A_188 : i32
        %get3A_291 = arith.index_cast %add3A_290 : i32 to index
        %get3A_292 = arith.constant 48 : index
        %get3A_293 = tpu.vector_load %arg9[%get3A_291, %get3A_292] {strides = array<i32>} : memref<400x64xf32, #tpu.memory_space<vmem>>, vector<1x16xf32>,
        %get3A_294 = vector.shape_cast %get3A_293 : vector<1x16xf32> to vector<16xf32>
        %add3A_295 = arith.addf %get3A_294, %get3A_276 : vector<16xf32>
        %swap3A_296 = arith.index_cast %add3A_290 : i32 to index
        %swap3A_297 = arith.constant 48 : index
        %swap3A_298 = tpu.vector_load %arg9[%swap3A_296, %swap3A_297] {strides = array<i32>} : memref<400x64xf32, #tpu.memory_space<vmem>>, vector<1x16xf32>,
        %swap3A_299 = vector.shape_cast %swap3A_298 : vector<1x16xf32> to vector<16xf32>
        %swap3A_300 = vector.shape_cast %add3A_295 : vector<16xf32> to vector<1x16xf32>
        tpu.vector_store %arg9[%swap3A_296, %swap3A_297], %swap3A_300 {strides = array<i32>} : memref<400x64xf32, #tpu.memory_space<vmem>>, vector<1x16xf32>,
      }
      %scan3A_63 = arith.constant 200 : i32
      %mul3A_64 = arith.constant 400 : i32
      %mul3A_65 = arith.muli %add3A_52, %mul3A_64 : i32
      %add3A_66 = arith.addi %mul3A_2, %mul3A_65 : i32
      %dma_start3A_67 = arith.constant 0 : i32
      %dma_start3A_68 = tpu.memref_slice %arg5[%add3A_66, %dma_start3A_67] : memref<819200x64xf32, #tpu.memory_space<hbm>> -> memref<400x64xf32, #tpu.memory_space<hbm>>
      %dma_start3A_69 = arith.constant 0 : i32
      %dma_start3A_70 = tpu.memref_slice %arg5[%add3A_66, %dma_start3A_69] : memref<819200x64xf32, #tpu.memory_space<hbm>> -> memref<400x64xf32, #tpu.memory_space<hbm>>
      tpu.enqueue_dma source(%arg9 : memref<400x64xf32, #tpu.memory_space<vmem>>) target(%dma_start3A_70 : memref<400x64xf32, #tpu.memory_space<hbm>>) target_semaphore(%arg13 : memref<!tpu.dma_semaphore, #tpu.memory_space<semaphore_mem>>)
      %lt3A_71 = arith.constant 31 : i32
      %lt3A_72 = arith.cmpi slt, %scan3A_24, %lt3A_71 : i32
      %convert_element_type3A_73 = arith.extui %lt3A_72 : i1 to i32
      %cond3A_74 = arith.constant 0 : i32
      %cond3A_75 = arith.cmpi ne, %convert_element_type3A_73, %cond3A_74 : i32
      scf.if %cond3A_75 {
        %dma_wait3A_76 = arith.constant 0 : i32
        %dma_wait3A_77 = tpu.memref_slice %arg5[%mul3A_2, %dma_wait3A_76] : memref<819200x64xf32, #tpu.memory_space<hbm>> -> memref<400x64xf32, #tpu.memory_space<hbm>>
        %dma_wait3A_78 = arith.constant 0 : i32
        %dma_wait3A_79 = tpu.memref_slice %arg5[%mul3A_2, %dma_wait3A_78] : memref<819200x64xf32, #tpu.memory_space<hbm>> -> memref<400x64xf32, #tpu.memory_space<hbm>>
        tpu.wait_dma2 semaphore(%arg13 : memref<!tpu.dma_semaphore, #tpu.memory_space<semaphore_mem>>) src(%arg9 : memref<400x64xf32, #tpu.memory_space<vmem>>) dst(%dma_wait3A_79 : memref<400x64xf32, #tpu.memory_space<hbm>>)
        %add3A_80 = arith.constant 2 : i32
        %add3A_81 = arith.addi %add3A_52, %add3A_80 : i32
        %mul3A_82 = arith.constant 400 : i32
        %mul3A_83 = arith.muli %add3A_81, %mul3A_82 : i32
        %dma_start3A_84 = tpu.memref_slice %arg6[%mul3A_83] : memref<25600xi32, #tpu.memory_space<vmem>> -> memref<400xi32, #tpu.memory_space<vmem>>
        %dma_start3A_85 = arith.constant 0 : i32
        %dma_start3A_86 = arith.constant 0 : i32
        %dma_start3A_87 = tpu.memref_slice %arg4[%dma_start3A_85, %dma_start3A_86] : memref<100000x64xf32, #tpu.memory_space<hbm>> -> memref<100000x64xf32, #tpu.memory_space<hbm>>
        tpu.enqueue_indirect_dma source(%dma_start3A_87 : memref<100000x64xf32, #tpu.memory_space<hbm>>) target(%arg9 : memref<400x64xf32, #tpu.memory_space<vmem>>) offsets(%dma_start3A_84 : memref<400xi32, #tpu.memory_space<vmem>>) semaphore(%arg11 : memref<!tpu.dma_semaphore, #tpu.memory_space<semaphore_mem>>)
      } else {
      }
    }
    %scan3A_16 = arith.constant 32 : i32
    %dma_wait3A = arith.constant 0 : i32
    %dma_wait3A_17 = tpu.memref_slice %arg5[%mul3A_2, %dma_wait3A] : memref<819200x64xf32, #tpu.memory_space<hbm>> -> memref<400x64xf32, #tpu.memory_space<hbm>>
    %dma_wait3A_18 = arith.constant 0 : i32
    %dma_wait3A_19 = tpu.memref_slice %arg5[%mul3A_2, %dma_wait3A_18] : memref<819200x64xf32, #tpu.memory_space<hbm>> -> memref<400x64xf32, #tpu.memory_space<hbm>>
    tpu.wait_dma2 semaphore(%arg12 : memref<!tpu.dma_semaphore, #tpu.memory_space<semaphore_mem>>) src(%arg8 : memref<400x64xf32, #tpu.memory_space<vmem>>) dst(%dma_wait3A_19 : memref<400x64xf32, #tpu.memory_space<hbm>>)
    %dma_wait3A_20 = arith.constant 0 : i32
    %dma_wait3A_21 = tpu.memref_slice %arg5[%mul3A_2, %dma_wait3A_20] : memref<819200x64xf32, #tpu.memory_space<hbm>> -> memref<400x64xf32, #tpu.memory_space<hbm>>
    %dma_wait3A_22 = arith.constant 0 : i32
    %dma_wait3A_23 = tpu.memref_slice %arg5[%mul3A_2, %dma_wait3A_22] : memref<819200x64xf32, #tpu.memory_space<hbm>> -> memref<400x64xf32, #tpu.memory_space<hbm>>
    tpu.wait_dma2 semaphore(%arg13 : memref<!tpu.dma_semaphore, #tpu.memory_space<semaphore_mem>>) src(%arg9 : memref<400x64xf32, #tpu.memory_space<vmem>>) dst(%dma_wait3A_23 : memref<400x64xf32, #tpu.memory_space<hbm>>)
    return
  }
}

</mosaic_0001>

<sc_bundles>
// kernel: kernel.3.cloned.1.call-start
scs
__scs_entry_jumppad:
0x0: {  	(pc) =	sbr.rel $0x88, $3  }
0x1: {  	(tag) =	ssettag $0x0;
	lr =	simm.s32 $0x1  }
0x2: {  	[smem:$0x3F9E] =	sst lr;
	_ =	strace $0xD0000000  }
0x3: {  	_ = 	snop  }
0x4: {  	_ = 	snop  }
0x5: {  	_ = 	snop  }
0x6: {  	_ = 	snop  }
0x7: {  	_ = 	snop  }
__scs_overlays_trampoline_lowered:
0x8: {  	[smem:$0x3FAD] =	sst s0  }
0x9: {  	[smem:$0x3FAE] =	sst s1  }
0xa: {  	[smem:$0x3FAF] =	sst s2  }
0xb: {  	[smem:$0x3FB0] =	sst s3  }
0xc: {  	[smem:$0x3FB1] =	sst s4  }
0xd: {  	[smem:$0x3FB2] =	sst s5  }
0xe: {  	[smem:$0x3FB3] =	sst s6  }
0xf: {  	[smem:$0x3FB4] =	sst s7  }
0x10: {  	[smem:$0x3FB5] =	sst s8  }
0x11: {  	[smem:$0x3FB6] =	sst s9;
	s0 =	simm.s32 @!p0 $0x0  }
0x12: {  	s1 =	sld [smem:$0x3F9C];
	s0 =	simm.s32 @p0 $0x1  }
0x13: {  	[smem:$0x3FB7] =	sst s0;
	s0 =	simm.s32 @!p1 $0x0  }
0x14: {  	s2 =	sld [smem:$0x3F9B];
	s0 =	simm.s32 @p1 $0x1  }
0x15: {  	[smem:$0x3FB8] =	sst s0;
	s0 =	simm.s32 @!p2 $0x0  }
0x16: {  	s3 =	sld [smem:$0x3FDB];
	s0 =	simm.s32 @p2 $0x1  }
0x17: {  	s4 =	simm.s32 $0x1BF5;
	[smem:$0x3FBA] =	sst s0  }
0x18: {  	s0 =	sld [smem:$0x3F9D];
	_ =	swait.ge [sflag:s4], $0x0  }
0x19: {  	s7 =	sld [smem:$0x3F9E]  }
0x1a: {  	s8 =	sadd.s32 $0xFFFFE003, lr  }
0x1b: {  	s9 =	sadd.s32 $0xFFFFFEF7, lr;
	s5 =	simm.s32 $0xFFFFFFFF;
	p2 =	slt.u32 s8, $0xFFFFF086  }
0x1c: {  	p1 =	slt.u32 s9, $0xF7A;
	s5 =	simm.s32 @!p2 $0x0  }
0x1d: {  	s5 =	simm.s32 @p1 $0x1;
	p0 =	seq.s32 s7, s2  }
0x1e: {  	s7 =	smul.u32 @!p0 $0xF7A, s2;
	p2 =	seq.s32 @!p0 s5, $0x0  }
0x1f: {  	s9 =	smul.u32 $0xF7A, s1;
	s8 =	simm.s32 @!p0 $0x1BF5;
	p2 =	por !p2, p0  }
0x20: {  	[sflag:s8] =	ssyncset.s32 @!p0 $0xFFFFF086;
	s6 =	sadd.s32 @!p0 s3, s7;
	s7 =	simm.s32 @!p0 $0x108  }
0x21: {  	s3 =	sadd.s32 s3, s9;
	s6 =	sadd.s32 @!p0 $0x88, s6;
	s7 =	simm.s32 @p2 $0x1082  }
0x22: {  	[simem:s7], [sflag:s8] =	dma.local @!p0 [hbm:s6], $0xF7A  }
0x23: {  	s9 =	sor.u32 $0xD0000000, s2;
	s6 =	simm.s32 $0x108;
	_ =	swait.ge @!p0 [sflag:s8], $0x0  }
0x24: {  	s3 =	sadd.s32 $0x88, s3;
	s6 =	simm.s32 @!p1 $0x1082;
	[sflag:s4] =	ssyncset.s32 $0xFFFFF086  }
0x25: {  	[simem:s6], [sflag:s4] =	dma.local [hbm:s3], $0xF7A  }
0x26: {  	[smem:$0x3F9E] =	sst s1;
	(tag) =	ssettag s2;
	_ =	strace s9  }
0x27: {  	s1 =	sld [smem:$0x3FAE]  }
0x28: {  	s2 =	sld [smem:$0x3FAF]  }
0x29: {  	s4 =	sld [smem:$0x3FB1]  }
0x2a: {  	p0 =	seq.s32 s5, $0x0;
	s5 =	sld [smem:$0x3FB2]  }
0x2b: {  	s6 =	sld [smem:$0x3FB3]  }
0x2c: {  	s7 =	sld [smem:$0x3FB4]  }
0x2d: {  	s3 =	simm.s32 $0x108;
	s8 =	sld [smem:$0x3FB5]  }
0x2e: {  	s3 =	simm.s32 @!p0 $0x1082;
	s9 =	sld [smem:$0x3FB6]  }
0x2f: {  	lr =	sadd.s32 s0, s3;
	s0 =	sld [smem:$0x3FAD]  }
0x30: {  	s3 =	sld [smem:$0x3FB0]  }
0x31: {  	[smem:$0x3FB9] =	sst s10  }
0x32: {  	s10 =	sld [smem:$0x3FB7];
	_ =	sdelay $0x3  }
0x33: {  	p0 =	seq.s32 s10, $0x1;
	s10 =	sld [smem:$0x3FB9];
	_ =	sdelay $0x3  }
0x34: {  	[smem:$0x3FB9] =	sst s10  }
0x35: {  	s10 =	sld [smem:$0x3FB8];
	_ =	sdelay $0x3  }
0x36: {  	p1 =	seq.s32 s10, $0x1;
	s10 =	sld [smem:$0x3FB9];
	_ =	sdelay $0x3  }
0x37: {  	[smem:$0x3FB9] =	sst s10  }
0x38: {  	s10 =	sld [smem:$0x3FBA]  }
0x39: {  	_ = 	snop;
	(pc) =	sbr.ind lr, $3  }
0x3a: {  	_ = 	snop  }
0x3b: {  	_ = 	snop  }
0x3c: {  	p2 =	seq.s32 s10, $0x1;
	s10 =	sld [smem:$0x3FB9]  }
0x3d: {  	_ =	shalt  }
0x3e: {  	_ =	shalt  }
0x3f: {  	_ =	shalt  }
0x40: {  	_ =	shalt  }
0x41: {  	_ =	shalt  }
0x42: {  	_ =	shalt  }
0x43: {  	_ =	shalt  }
0x44: {  	_ =	shalt  }
0x45: {  	_ =	shalt  }
0x46: {  	_ =	shalt  }
0x47: {  	_ =	shalt  }
0x48: {  	_ =	shalt  }
0x49: {  	_ =	shalt  }
0x4a: {  	_ =	shalt  }
0x4b: {  	_ =	shalt  }
0x4c: {  	_ =	shalt  }
0x4d: {  	_ =	shalt  }
0x4e: {  	_ =	shalt  }
0x4f: {  	_ =	shalt  }
0x50: {  	_ =	shalt  }
0x51: {  	_ =	shalt  }
0x52: {  	_ =	shalt  }
0x53: {  	_ =	shalt  }
0x54: {  	_ =	shalt  }
0x55: {  	_ =	shalt  }
0x56: {  	_ =	shalt  }
0x57: {  	_ =	shalt  }
0x58: {  	_ =	shalt  }
0x59: {  	_ =	shalt  }
0x5a: {  	_ =	shalt  }
0x5b: {  	_ =	shalt  }
0x5c: {  	_ =	shalt  }
0x5d: {  	_ =	shalt  }
0x5e: {  	_ =	shalt  }
0x5f: {  	_ =	shalt  }
0x60: {  	_ =	shalt  }
0x61: {  	_ =	shalt  }
0x62: {  	_ =	shalt  }
0x63: {  	_ =	shalt  }
0x64: {  	_ =	shalt  }
0x65: {  	_ =	shalt  }
0x66: {  	_ =	shalt  }
0x67: {  	_ =	shalt  }
0x68: {  	_ =	shalt  }
0x69: {  	_ =	shalt  }
0x6a: {  	_ =	shalt  }
0x6b: {  	_ =	shalt  }
0x6c: {  	_ =	shalt  }
0x6d: {  	_ =	shalt  }
0x6e: {  	_ =	shalt  }
0x6f: {  	_ =	shalt  }
0x70: {  	_ =	shalt  }
0x71: {  	_ =	shalt  }
0x72: {  	_ =	shalt  }
0x73: {  	_ =	shalt  }
0x74: {  	_ =	shalt  }
0x75: {  	_ =	shalt  }
0x76: {  	_ =	shalt  }
0x77: {  	_ =	shalt  }
0x78: {  	_ =	shalt  }
0x79: {  	_ =	shalt  }
0x7a: {  	_ =	shalt  }
0x7b: {  	_ =	shalt  }
0x7c: {  	_ =	shalt  }
0x7d: {  	_ =	shalt  }
0x7e: {  	_ =	shalt  }
0x7f: {  	_ =	shalt  }
0x80: {  	_ =	shalt  }
0x81: {  	_ =	shalt  }
0x82: {  	_ =	shalt  }
0x83: {  	_ =	shalt  }
0x84: {  	_ =	shalt  }
0x85: {  	_ =	shalt  }
0x86: {  	_ =	shalt  }
0x87: {  	_ =	shalt  }
.Lfunc_end0:
.L_simem_size_0:
called_computation.1_lowered:
.L_overlay_start_0:
0x88: {  	s2 =	sld [smem:$0x3FD9]  }
0x89: {  	s3 =	sld [smem:$0x3FFE];
	_ =	sdelay $0x1  }
0x8a: {  	s1 =	srdreg.scid  }
0x8b: {  	s0 =	sand.u32 $0x1, s1  }
0x8c: {  	s17 =	sshll.u32 s0, $0xA;
	s2 =	sadd.s32 s3, s2  }
0x8d: {  	s2 =	sadd.s32 s2, s17  }
0x8e: {  	[smem:$0x3FC5] =	sst s2  }
0x8f: {  	_ = 	snop  }
0x90: {  	s2 =	sld [smem:$0x3FD0];
	(tm) =	ssettm $0x1  }
0x91: {  	s18 =	sld [smem:$0x3FFB];
	_ =	sdelay $0x3  }
0x92: {  	_ =	strace s18  }
0x93: {  	s3 =	sld [smem:$0x3FFC];
	_ =	sdelay $0x3  }
0x94: {  	_ =	strace s3  }
0x95: {  	s3 =	sld [smem:$0x3FFD];
	_ =	sdelay $0x3  }
0x96: {  	_ =	strace s3  }
0x97: {  	_ =	strace $0x8FFFFFFF  }
0x98: {  	s19 =	sld [smem:$0x3FDB];
	_ =	sdelay $0x1  }
0x99: {  	s4 =	simm.s32 $_scs_section_size  }
0x9a: {  	s5 =	simm.s32 $_size__tile_overlayer_lowered;
	s6 =	simm.s32 $_tile_overlayer_lowered  }
0x9b: {  	s22 =	simm.s32 $0x1BFF;
	s21 =	sshll.u32 s6, $0x1;
	s3 =	sadd.s32 s4, s19  }
0x9c: {  	s7 =	simm.s32 $0x0;
	s20 =	sshll.u32 s5, $0x1;
	s5 =	sadd.s32 s21, s3  }
0x9d: {  	[timem:s7], [sflag:s22] =	dma.local [hbm:s5], s20  }
0x9e: {  	_ =	swait.ge [sflag:s22], s20  }
0x9f: {  	s4 =	ssub.s32 $0x0, s20;
	[sflag:s22] =	ssyncset.done $0x0  }
0xa0: {  	[sflag:s22] =	ssyncadd.s32 s4;
	_ =	sdelay $0x1  }
0xa1: {  	s23 =	simm.s32 $0x1B8B  }
0xa2: {  	_ =	swait.ge [sflag:s23], $0x1  }
0xa3: {  	[sflag:s23] =	ssyncset.done $0x0  }
0xa4: {  	s25 =	simm.s32 $0x1B8E;
	s24 =	sld [smem:$0x3FFE];
	[sflag:s23] =	ssyncadd.s32 $0xFFFFFFFF  }
0xa5: {  	s26 =	simm.s32 $execute0_lowered;
	[smem:$0x3FD2] =	sst s25  }
0xa6: {  	s5 =	sshll.u32 s26, $0x1;
	_ =	strace $0x80000046;
	[dreg:$0x1] =	wrdreg $0xFFFFFFFF  }
0xa7: {  	s28 =	simm.s32 $_size_execute0_lowered;
	s3 =	sadd.s32 s3, s5;
	[dreg:$0x0] =	wrdreg $0x0  }
0xa8: {  	s5 =	sshll.u32 s28, $0x1;
	[dreg:$0x2] =	wrdreg s3  }
0xa9: {  	[dreg:$0x3] =	wrdreg s5  }
0xaa: {  	[dreg:$0x4] =	wrdreg $0xC0  }
0xab: {  	_ =	task [dreg:s7], $0x5FFFF  }
0xac: {  	[dreg:$0x1] =	wrdreg $0xFFFFFFFF  }
0xad: {  	[dreg:$0x0] =	wrdreg $0x60  }
0xae: {  	[dreg:$0x2] =	wrdreg s24  }
0xaf: {  	[dreg:$0x3] =	wrdreg s2  }
0xb0: {  	[dreg:$0x4] =	wrdreg $0x9  }
0xb1: {  	_ =	task.clear_ibuf [dreg:s7], $0x5FFFF;
	_ =	strace $0x90000046  }
0xb2: {  	s29 =	simm.s32 $0x9;
	_ =	strace $0x80000048  }
0xb3: {  	_ =	swait.ge [sflag:s29], $0x1  }
0xb4: {  	[sflag:s29] =	ssyncadd.s32 $0xFFFFFFFF  }
0xb5: {  	_ =	strace $0x90000048  }
0xb6: {  	_ =	sfence  }
0xb7: {  	s30 =	sld [smem:$0x0];
	_ =	sdelay $0x2  }
0xb8: {  	s31 =	sshll.u32 s1, $0xD;
	s1 =	sshrl.u32 s1, $0x2  }
0xb9: {  	s3 =	sand.u32 $0x4000, s31;
	s1 =	sadd.s32 s1, s30  }
0xba: {  	s0 =	sor.u32 s3, s0;
	s1 =	sshll.u32 s1, $0x11  }
0xbb: {  	s0 =	sor.u32 s1, s0  }
0xbc: {  	s0 =	sadd.s32 $0x8F2B, s0  }
0xbd: {  	[sflag:s0] =	ssyncadd.remote.s32 $0x1  }
0xbe: {  	_ =	sfence.sel $0xFFFF  }
0xbf: {  	[dreg:$0x0] =	wrdreg $0xFFFFFFFF;
	(pc) =	sbr.abs _section_cstart, $3  }
0xc0: {  	[dreg:$0x1] =	wrdreg $0xFFFFFFFF  }
0xc1: {  	_ =	task.clear_ibuf [dreg:s7], $0x2FFFF;
	_ =	strace $0x9FFFFFFF  }
0xc2: {  	(tm) =	ssettm $0x7FFFFFFF  }
0xc3: {  	_ =	shalt  }
tec
execute0_lowered:
.L_overlay_start_1:
0x0: {  	(tag) =	ssettag $0x1  }
0x1: {  	s1 =	srdreg.scid  }
0x2: {  	s0 =	stileid.u32;
	s6 =	rddreg [dreg:$0x0]  }
0x3: {  	s2 =	rddreg [dreg:$0x1];
	s3 =	simm.s32 $0x0;
	s10 =	simm.s32 $0x5  }
0x4: {  	s11 =	simm.s32 $0x6400;
	s12 =	simm.s32 $0x190;
	s13 =	simm.s32 $0x9600  }
0x5: {  	s14 =	simm.s32 $0xFA00;
	s5 =	sand.u32 $0x1, s1;
	s31 =	sshll.u32 s0, $0x1  }
0x6: {  	s15 =	simm.s32 $0x1;
	s16 =	simm.s32 $0x2;
	s4 =	sor.u32 s5, s31  }
0x7: {  	s17 =	simm.s32 $0x3;
	s18 =	simm.s32 $0x4;
	s4 =	smul.u32 $0x6400, s4  }
.Ltmp0:
0x8: {  	s19 =	simm.s32 $0x0;
	[smem:$0x7FF] =	sst s3;
	(pc) =	sbr.rel .LBB2_1-.Ltmp0, $4  }
0x9: {  	s1 =	rddreg [dreg:$0x2];
	_ =	strace $0x80000047;
	s8 =	ssub.s32 $0x2, s5  }
0xa: {  	s5 =	sadd.s32 $0x800, s6;
	s9 =	sshrl.u32 s8, $0x1;
	s7 =	sshrl.u32 s4, $0x3  }
0xb: {  	s9 =	ssub.s32 s8, s9;
	s8 =	sor.u32 $0x190, s4;
	s7 =	sadd.s32 s7, s6  }
0xc: {  	s9 =	smax.u32 s9, $0x1;
	s6 =	sadd.s32 $0x1A000, s6;
	s7 =	sadd.s32 $0x1000, s7  }
.LBB2_8:
0xd: {  	s19 =	sadd.s32 $0x1, s19  }
0xe: {  	_ =	swait.ge [sflag:s17], $0x6400;
	p0 =	sne.s32 s19, s9  }
.Ltmp1:
0xf: {  	[sflag:s17] =	ssyncset.done $0x0;
	(pc) =	sbr.rel @!p0 .LBB2_9-.Ltmp1, $4  }
0x10: {  	[sflag:s17] =	ssyncadd.s32 $0xFFFF9C00  }
0x11: {  	_ =	swait.ge [sflag:s18], $0x6400  }
0x12: {  	[sflag:s18] =	ssyncset.done $0x0  }
0x13: {  	[sflag:s18] =	ssyncadd.s32 $0xFFFF9C00  }
.LBB2_1:
0x14: {  	[tilespmem:s3], [sflag:$0x5] =	stream.linear.gather [hbm4b:s7+s3], $0x6400, $0x38;
	[tilespmem:$0x15E00] =	vst v63  }
0x15: {  	_ =	swait.ge [sflag:s10], $0x6400  }
0x16: {  	[sflag:s10] =	ssyncset.done $0x0  }
0x17: {  	[sflag:s10] =	ssyncadd.s32 $0xFFFF9C00  }
0x18: {  	[tilespmem:s11], [sflag:$0x5] =	stream.linear.gather [hbm4b:s5+s3], $0x3200, $0x38;
	[tilespmem:$0x15E00] =	vst v63  }
0x19: {  	_ =	swait.ge [sflag:s10], $0x3200  }
0x1a: {  	[sflag:s10] =	ssyncset.done $0x0  }
0x1b: {  	[sflag:s10] =	ssyncadd.s32 $0xFFFFCE00  }
0x1c: {  	[tilespmem:s13], [sflag:$0x1] =	stream.indirect.gather [hbm4b:s6+s12], $0x40, s3, s12, $0xb8;
	[tilespmem:$0x15E00] =	vst v63  }
0x1d: {  	s20 =	simm.s32 $0x0  }
0x1e: {  	[tilespmem:s14], [sflag:$0x2] =	stream.indirect.gather [hbm4b:s6+s12], $0x40, s12, s12, $0xb8;
	[tilespmem:$0x15E00] =	vst v63  }
.LBB2_2:
0x1f: {  	_ =	swait.ge [sflag:s15], $0x6400  }
0x20: {  	[sflag:s15] =	ssyncset.done $0x0  }
0x21: {  	s21 =	simm.s32 $0x6440;
	[sflag:s15] =	ssyncadd.s32 $0xFFFF9C00  }
0x22: {  	s22 =	simm.s32 $0xC870;
	v0 =	vld [tilespmem:s21+$0xFFFFFFC0]  }
0x23: {  	v1 =	vld [tilespmem:s22+$0xFFFFCD90]  }
0x24: {  	v2 =	vld [tilespmem:s22+$0xFFFFFF90];
	_ =	sdelay $0x3  }
0x25: {  	v1 =	vadd.f32 v1, v0  }
0x26: {  	v0 =	vadd.f32 v2, v0  }
0x27: {  	[tilespmem:s22+$0xFFFFCD90] =	vst v1  }
0x28: {  	[tilespmem:s22+$0xFFFFFF90] =	vst v0;
	v0 =	vld [tilespmem:s22+$0xFFFFCDA0]  }
0x29: {  	v1 =	vld [tilespmem:s21+$0xFFFFFFD0]  }
0x2a: {  	v2 =	vld [tilespmem:s22+$0xFFFFFFA0];
	_ =	sdelay $0x3  }
0x2b: {  	v0 =	vadd.f32 v0, v1  }
0x2c: {  	v1 =	vadd.f32 v2, v1  }
0x2d: {  	[tilespmem:s22+$0xFFFFCDA0] =	vst v0  }
0x2e: {  	[tilespmem:s22+$0xFFFFFFA0] =	vst v1;
	v1 =	vld [tilespmem:s22+$0xFFFFCDB0]  }
0x2f: {  	v2 =	vld [tilespmem:s21+$0xFFFFFFE0]  }
0x30: {  	v0 =	vld [tilespmem:s22+$0xFFFFFFB0];
	_ =	sdelay $0x3  }
0x31: {  	v1 =	vadd.f32 v1, v2  }
0x32: {  	v0 =	vadd.f32 v0, v2  }
0x33: {  	[tilespmem:s22+$0xFFFFCDB0] =	vst v1  }
0x34: {  	[tilespmem:s22+$0xFFFFFFB0] =	vst v0;
	v0 =	vld [tilespmem:s22+$0xFFFFCDC0]  }
0x35: {  	v2 =	vld [tilespmem:s21+$0xFFFFFFF0]  }
0x36: {  	v1 =	vld [tilespmem:s22+$0xFFFFFFC0];
	_ =	sdelay $0x3  }
0x37: {  	v0 =	vadd.f32 v0, v2  }
0x38: {  	v1 =	vadd.f32 v1, v2  }
0x39: {  	[tilespmem:s22+$0xFFFFCDC0] =	vst v0  }
0x3a: {  	[tilespmem:s22+$0xFFFFFFC0] =	vst v1;
	v1 =	vld [tilespmem:s22+$0xFFFFCDD0]  }
0x3b: {  	v2 =	vld [tilespmem:s21+$0x0]  }
0x3c: {  	v0 =	vld [tilespmem:s22+$0xFFFFFFD0];
	_ =	sdelay $0x3  }
0x3d: {  	v1 =	vadd.f32 v1, v2  }
0x3e: {  	v0 =	vadd.f32 v0, v2  }
0x3f: {  	[tilespmem:s22+$0xFFFFCDD0] =	vst v1  }
0x40: {  	[tilespmem:s22+$0xFFFFFFD0] =	vst v0;
	v0 =	vld [tilespmem:s22+$0xFFFFCDE0]  }
0x41: {  	v2 =	vld [tilespmem:s21+$0x10]  }
0x42: {  	v1 =	vld [tilespmem:s22+$0xFFFFFFE0];
	_ =	sdelay $0x3  }
0x43: {  	v0 =	vadd.f32 v0, v2  }
0x44: {  	v1 =	vadd.f32 v1, v2  }
0x45: {  	[tilespmem:s22+$0xFFFFCDE0] =	vst v0  }
0x46: {  	[tilespmem:s22+$0xFFFFFFE0] =	vst v1;
	v0 =	vld [tilespmem:s22+$0xFFFFCDF0]  }
0x47: {  	v1 =	vld [tilespmem:s21+$0x20]  }
0x48: {  	v2 =	vld [tilespmem:s22+$0xFFFFFFF0];
	_ =	sdelay $0x3  }
0x49: {  	v0 =	vadd.f32 v0, v1  }
0x4a: {  	v1 =	vadd.f32 v2, v1  }
0x4b: {  	[tilespmem:s22+$0xFFFFCDF0] =	vst v0;
	v0 =	vld [tilespmem:s22+$0xFFFFCE00]  }
0x4c: {  	[tilespmem:s22+$0xFFFFFFF0] =	vst v1;
	v1 =	vld [tilespmem:s22+$0x0]  }
0x4d: {  	s24 =	simm.s32 $0x0;
	s23 =	simm.s32 $0xC870;
	v2 =	vld [tilespmem:s21+$0x30]  }
.LBB2_3:
0x4e: {  	s24 =	sadd.s32 $0x2, s24;
	s22 =	sadd.s32 $0x80, s22;
	s21 =	sadd.s32 $0x80, s21  }
0x4f: {  	p0 =	slt.u32 s24, $0xC6;
	_ =	sdelay $0x2  }
0x50: {  	v0 =	vadd.f32 v0, v2;
	v1 =	vadd.f32 v1, v2;
	_ =	sdelay $0x1  }
0x51: {  	[tilespmem:s23+$0xFFFFCE00] =	vst v0  }
0x52: {  	v0 =	vld [tilespmem:s22+$0xFFFFFF90];
	[tilespmem:s23+$0x0] =	vst v1;
	s23 =	smov.u32 s22  }
0x53: {  	v1 =	vld [tilespmem:s21+$0xFFFFFFC0]  }
0x54: {  	v2 =	vld [tilespmem:s22+$0xFFFFCD90];
	_ =	sdelay $0x3  }
0x55: {  	v0 =	vadd.f32 v0, v1  }
0x56: {  	v1 =	vadd.f32 v2, v1  }
0x57: {  	[tilespmem:s22+$0xFFFFFF90] =	vst v0;
	v0 =	vld [tilespmem:s22+$0xFFFFFFA0]  }
0x58: {  	[tilespmem:s22+$0xFFFFCD90] =	vst v1;
	v1 =	vld [tilespmem:s22+$0xFFFFCDA0]  }
0x59: {  	v2 =	vld [tilespmem:s21+$0xFFFFFFD0];
	_ =	sdelay $0x4  }
0x5a: {  	v1 =	vadd.f32 v1, v2;
	v0 =	vadd.f32 v0, v2;
	_ =	sdelay $0x1  }
0x5b: {  	[tilespmem:s22+$0xFFFFCDA0] =	vst v1;
	v1 =	vld [tilespmem:s22+$0xFFFFFFB0]  }
0x5c: {  	[tilespmem:s22+$0xFFFFFFA0] =	vst v0;
	v0 =	vld [tilespmem:s22+$0xFFFFCDB0]  }
0x5d: {  	v2 =	vld [tilespmem:s21+$0xFFFFFFE0];
	_ =	sdelay $0x4  }
0x5e: {  	v0 =	vadd.f32 v0, v2;
	v1 =	vadd.f32 v1, v2;
	_ =	sdelay $0x1  }
0x5f: {  	[tilespmem:s22+$0xFFFFCDB0] =	vst v0;
	v0 =	vld [tilespmem:s22+$0xFFFFFFC0]  }
0x60: {  	[tilespmem:s22+$0xFFFFFFB0] =	vst v1;
	v1 =	vld [tilespmem:s22+$0xFFFFCDC0]  }
0x61: {  	v2 =	vld [tilespmem:s21+$0xFFFFFFF0];
	_ =	sdelay $0x4  }
0x62: {  	v1 =	vadd.f32 v1, v2;
	v0 =	vadd.f32 v0, v2;
	_ =	sdelay $0x1  }
0x63: {  	[tilespmem:s22+$0xFFFFCDC0] =	vst v1;
	v1 =	vld [tilespmem:s22+$0xFFFFFFD0]  }
0x64: {  	[tilespmem:s22+$0xFFFFFFC0] =	vst v0;
	v0 =	vld [tilespmem:s22+$0xFFFFCDD0]  }
0x65: {  	v2 =	vld [tilespmem:s21+$0x0];
	_ =	sdelay $0x4  }
0x66: {  	v0 =	vadd.f32 v0, v2;
	v1 =	vadd.f32 v1, v2;
	_ =	sdelay $0x1  }
0x67: {  	[tilespmem:s22+$0xFFFFCDD0] =	vst v0;
	v0 =	vld [tilespmem:s22+$0xFFFFFFE0]  }
0x68: {  	[tilespmem:s22+$0xFFFFFFD0] =	vst v1;
	v1 =	vld [tilespmem:s22+$0xFFFFCDE0]  }
0x69: {  	v2 =	vld [tilespmem:s21+$0x10];
	_ =	sdelay $0x3  }
0x6a: {  	v3 =	vld [tilespmem:s22+$0xFFFFFFF0]  }
0x6b: {  	v1 =	vadd.f32 v1, v2;
	v0 =	vadd.f32 v0, v2;
	_ =	sdelay $0x1  }
0x6c: {  	[tilespmem:s22+$0xFFFFCDE0] =	vst v1  }
0x6d: {  	[tilespmem:s22+$0xFFFFFFE0] =	vst v0;
	v0 =	vld [tilespmem:s22+$0xFFFFCDF0]  }
0x6e: {  	v1 =	vld [tilespmem:s21+$0x20];
	_ =	sdelay $0x4  }
.Ltmp2:
0x6f: {  	v0 =	vadd.f32 v0, v1;
	v1 =	vadd.f32 v3, v1;
	(pc) =	sbr.rel @p0 .LBB2_3-.Ltmp2, $4  }
0x70: {  	_ = 	snop  }
0x71: {  	[tilespmem:s22+$0xFFFFCDF0] =	vst v0;
	v0 =	vld [tilespmem:s22+$0xFFFFCE00]  }
0x72: {  	[tilespmem:s22+$0xFFFFFFF0] =	vst v1;
	v1 =	vld [tilespmem:s22+$0x0]  }
0x73: {  	v2 =	vld [tilespmem:s21+$0x30]  }
0x74: {  	_ =	sdelay $0x2  }
0x75: {  	s21 =	smul.u32 $0x320, s20  }
0x76: {  	v0 =	vadd.f32 v0, v2  }
0x77: {  	s22 =	sadd.s32 s4, s21;
	v1 =	vadd.f32 v1, v2  }
0x78: {  	s22 =	sshll.u32 s22, $0x3;
	[tilespmem:s23+$0xFFFFCE00] =	vst v0  }
0x79: {  	p0 =	seq.s32 s20, $0x1F;
	s22 =	sadd.s32 s2, s22;
	[tilespmem:s23+$0x0] =	vst v1  }
0x7a: {  	[hbm4b:s22+s3] =	stream.linear.scatter [tilespmem:s13], [sflag:$0x3], $0x6400, $0x38;
	[tilespmem:$0x15E00] =	vst v63  }
0x7b: {  	s22 =	simm.s32 @!p0 $0x3  }
0x7c: {  	s23 =	smul.u32 @!p0 $0xC80, s20;
	_ =	swait.ge @!p0 [sflag:s22], $0x6400  }
0x7d: {  	[sflag:s22] =	ssyncset.done @!p0 $0x0  }
0x7e: {  	[sflag:s22] =	ssyncadd.s32 @!p0 $0xFFFF9C00;
	s22 =	sshra.s32 @!p0 s23, $0x2  }
0x7f: {  	s24 =	simm.s32 @!p0 $0x9600;
	s23 =	simm.s32 @!p0 $0x190;
	s22 =	sadd.s32 @!p0 $0x320, s22  }
0x80: {  	[tilespmem:s24], [sflag:$0x1] =	stream.indirect.gather @!p0 [hbm4b:s6+s23], $0x40, s22, s23, $0xb8;
	[tilespmem:$0x15E00] =	vst v63  }
0x81: {  	_ =	swait.ge [sflag:s16], $0x6400  }
0x82: {  	[sflag:s16] =	ssyncset.done $0x0  }
0x83: {  	s22 =	simm.s32 $0x6440;
	[sflag:s16] =	ssyncadd.s32 $0xFFFF9C00  }
0x84: {  	s23 =	simm.s32 $0x12C70;
	v0 =	vld [tilespmem:s22+$0xFFFFFFC0]  }
0x85: {  	v1 =	vld [tilespmem:s23+$0xFFFFCD90]  }
0x86: {  	v2 =	vld [tilespmem:s23+$0xFFFFFF90];
	_ =	sdelay $0x3  }
0x87: {  	v1 =	vadd.f32 v1, v0  }
0x88: {  	v0 =	vadd.f32 v2, v0  }
0x89: {  	[tilespmem:s23+$0xFFFFCD90] =	vst v1  }
0x8a: {  	[tilespmem:s23+$0xFFFFFF90] =	vst v0;
	v0 =	vld [tilespmem:s23+$0xFFFFCDA0]  }
0x8b: {  	v1 =	vld [tilespmem:s22+$0xFFFFFFD0]  }
0x8c: {  	v2 =	vld [tilespmem:s23+$0xFFFFFFA0];
	_ =	sdelay $0x3  }
0x8d: {  	v0 =	vadd.f32 v0, v1  }
0x8e: {  	v1 =	vadd.f32 v2, v1  }
0x8f: {  	[tilespmem:s23+$0xFFFFCDA0] =	vst v0  }
0x90: {  	[tilespmem:s23+$0xFFFFFFA0] =	vst v1;
	v1 =	vld [tilespmem:s23+$0xFFFFCDB0]  }
0x91: {  	v2 =	vld [tilespmem:s22+$0xFFFFFFE0]  }
0x92: {  	v0 =	vld [tilespmem:s23+$0xFFFFFFB0];
	_ =	sdelay $0x3  }
0x93: {  	v1 =	vadd.f32 v1, v2  }
0x94: {  	v0 =	vadd.f32 v0, v2  }
0x95: {  	[tilespmem:s23+$0xFFFFCDB0] =	vst v1  }
0x96: {  	[tilespmem:s23+$0xFFFFFFB0] =	vst v0;
	v0 =	vld [tilespmem:s23+$0xFFFFCDC0]  }
0x97: {  	v2 =	vld [tilespmem:s22+$0xFFFFFFF0]  }
0x98: {  	v1 =	vld [tilespmem:s23+$0xFFFFFFC0];
	_ =	sdelay $0x3  }
0x99: {  	v0 =	vadd.f32 v0, v2  }
0x9a: {  	v1 =	vadd.f32 v1, v2  }
0x9b: {  	[tilespmem:s23+$0xFFFFCDC0] =	vst v0  }
0x9c: {  	[tilespmem:s23+$0xFFFFFFC0] =	vst v1;
	v1 =	vld [tilespmem:s23+$0xFFFFCDD0]  }
0x9d: {  	v2 =	vld [tilespmem:s22+$0x0]  }
0x9e: {  	v0 =	vld [tilespmem:s23+$0xFFFFFFD0];
	_ =	sdelay $0x3  }
0x9f: {  	v1 =	vadd.f32 v1, v2  }
0xa0: {  	v0 =	vadd.f32 v0, v2  }
0xa1: {  	[tilespmem:s23+$0xFFFFCDD0] =	vst v1  }
0xa2: {  	[tilespmem:s23+$0xFFFFFFD0] =	vst v0;
	v0 =	vld [tilespmem:s23+$0xFFFFCDE0]  }
0xa3: {  	v2 =	vld [tilespmem:s22+$0x10]  }
0xa4: {  	v1 =	vld [tilespmem:s23+$0xFFFFFFE0];
	_ =	sdelay $0x3  }
0xa5: {  	v0 =	vadd.f32 v0, v2  }
0xa6: {  	v1 =	vadd.f32 v1, v2  }
0xa7: {  	[tilespmem:s23+$0xFFFFCDE0] =	vst v0  }
0xa8: {  	[tilespmem:s23+$0xFFFFFFE0] =	vst v1;
	v0 =	vld [tilespmem:s23+$0xFFFFCDF0]  }
0xa9: {  	v1 =	vld [tilespmem:s22+$0x20]  }
0xaa: {  	v2 =	vld [tilespmem:s23+$0xFFFFFFF0];
	_ =	sdelay $0x3  }
0xab: {  	v0 =	vadd.f32 v0, v1  }
0xac: {  	v1 =	vadd.f32 v2, v1  }
0xad: {  	[tilespmem:s23+$0xFFFFCDF0] =	vst v0;
	v0 =	vld [tilespmem:s23+$0xFFFFCE00]  }
0xae: {  	[tilespmem:s23+$0xFFFFFFF0] =	vst v1;
	v1 =	vld [tilespmem:s23+$0x0]  }
0xaf: {  	s25 =	simm.s32 $0x0;
	s24 =	simm.s32 $0x12C70;
	v2 =	vld [tilespmem:s22+$0x30]  }
.LBB2_5:
0xb0: {  	s25 =	sadd.s32 $0x2, s25;
	s23 =	sadd.s32 $0x80, s23;
	s22 =	sadd.s32 $0x80, s22  }
0xb1: {  	p1 =	slt.u32 s25, $0xC6;
	_ =	sdelay $0x2  }
0xb2: {  	v0 =	vadd.f32 v0, v2;
	v1 =	vadd.f32 v1, v2;
	_ =	sdelay $0x1  }
0xb3: {  	[tilespmem:s24+$0xFFFFCE00] =	vst v0  }
0xb4: {  	v0 =	vld [tilespmem:s23+$0xFFFFFF90];
	[tilespmem:s24+$0x0] =	vst v1;
	s24 =	smov.u32 s23  }
0xb5: {  	v1 =	vld [tilespmem:s22+$0xFFFFFFC0]  }
0xb6: {  	v2 =	vld [tilespmem:s23+$0xFFFFCD90];
	_ =	sdelay $0x3  }
0xb7: {  	v0 =	vadd.f32 v0, v1  }
0xb8: {  	v1 =	vadd.f32 v2, v1  }
0xb9: {  	[tilespmem:s23+$0xFFFFFF90] =	vst v0;
	v0 =	vld [tilespmem:s23+$0xFFFFFFA0]  }
0xba: {  	[tilespmem:s23+$0xFFFFCD90] =	vst v1;
	v1 =	vld [tilespmem:s23+$0xFFFFCDA0]  }
0xbb: {  	v2 =	vld [tilespmem:s22+$0xFFFFFFD0];
	_ =	sdelay $0x4  }
0xbc: {  	v1 =	vadd.f32 v1, v2;
	v0 =	vadd.f32 v0, v2;
	_ =	sdelay $0x1  }
0xbd: {  	[tilespmem:s23+$0xFFFFCDA0] =	vst v1;
	v1 =	vld [tilespmem:s23+$0xFFFFFFB0]  }
0xbe: {  	[tilespmem:s23+$0xFFFFFFA0] =	vst v0;
	v0 =	vld [tilespmem:s23+$0xFFFFCDB0]  }
0xbf: {  	v2 =	vld [tilespmem:s22+$0xFFFFFFE0];
	_ =	sdelay $0x4  }
0xc0: {  	v0 =	vadd.f32 v0, v2;
	v1 =	vadd.f32 v1, v2;
	_ =	sdelay $0x1  }
0xc1: {  	[tilespmem:s23+$0xFFFFCDB0] =	vst v0;
	v0 =	vld [tilespmem:s23+$0xFFFFFFC0]  }
0xc2: {  	[tilespmem:s23+$0xFFFFFFB0] =	vst v1;
	v1 =	vld [tilespmem:s23+$0xFFFFCDC0]  }
0xc3: {  	v2 =	vld [tilespmem:s22+$0xFFFFFFF0];
	_ =	sdelay $0x4  }
0xc4: {  	v1 =	vadd.f32 v1, v2;
	v0 =	vadd.f32 v0, v2;
	_ =	sdelay $0x1  }
0xc5: {  	[tilespmem:s23+$0xFFFFCDC0] =	vst v1;
	v1 =	vld [tilespmem:s23+$0xFFFFFFD0]  }
0xc6: {  	[tilespmem:s23+$0xFFFFFFC0] =	vst v0;
	v0 =	vld [tilespmem:s23+$0xFFFFCDD0]  }
0xc7: {  	v2 =	vld [tilespmem:s22+$0x0];
	_ =	sdelay $0x4  }
0xc8: {  	v0 =	vadd.f32 v0, v2;
	v1 =	vadd.f32 v1, v2;
	_ =	sdelay $0x1  }
0xc9: {  	[tilespmem:s23+$0xFFFFCDD0] =	vst v0;
	v0 =	vld [tilespmem:s23+$0xFFFFFFE0]  }
0xca: {  	[tilespmem:s23+$0xFFFFFFD0] =	vst v1;
	v1 =	vld [tilespmem:s23+$0xFFFFCDE0]  }
0xcb: {  	v2 =	vld [tilespmem:s22+$0x10];
	_ =	sdelay $0x3  }
0xcc: {  	v3 =	vld [tilespmem:s23+$0xFFFFFFF0]  }
0xcd: {  	v1 =	vadd.f32 v1, v2;
	v0 =	vadd.f32 v0, v2;
	_ =	sdelay $0x1  }
0xce: {  	[tilespmem:s23+$0xFFFFCDE0] =	vst v1  }
0xcf: {  	[tilespmem:s23+$0xFFFFFFE0] =	vst v0;
	v0 =	vld [tilespmem:s23+$0xFFFFCDF0]  }
0xd0: {  	v1 =	vld [tilespmem:s22+$0x20];
	_ =	sdelay $0x4  }
.Ltmp3:
0xd1: {  	v0 =	vadd.f32 v0, v1;
	v1 =	vadd.f32 v3, v1;
	(pc) =	sbr.rel @p1 .LBB2_5-.Ltmp3, $4  }
0xd2: {  	_ = 	snop  }
0xd3: {  	[tilespmem:s23+$0xFFFFCDF0] =	vst v0;
	v0 =	vld [tilespmem:s23+$0xFFFFCE00]  }
0xd4: {  	[tilespmem:s23+$0xFFFFFFF0] =	vst v1;
	v1 =	vld [tilespmem:s23+$0x0]  }
0xd5: {  	v2 =	vld [tilespmem:s22+$0x30]  }
0xd6: {  	_ =	sdelay $0x3  }
.Ltmp4:
0xd7: {  	s21 =	sadd.s32 s21, s8;
	v0 =	vadd.f32 v0, v2;
	(pc) =	sbr.rel @p0 .LBB2_8-.Ltmp4, $4  }
0xd8: {  	s21 =	sshll.u32 s21, $0x3;
	v1 =	vadd.f32 v1, v2  }
0xd9: {  	s21 =	sand.u32 $0x1FFFFF80, s21;
	[tilespmem:s24+$0xFFFFCE00] =	vst v0  }
0xda: {  	s21 =	sadd.s32 s2, s21;
	[tilespmem:s24+$0x0] =	vst v1  }
0xdb: {  	[hbm4b:s21+s3] =	stream.linear.scatter [tilespmem:s14], [sflag:$0x4], $0x6400, $0x38;
	[tilespmem:$0x15E00] =	vst v63  }
0xdc: {  	s21 =	smul.u32 $0xC80, s20  }
.Ltmp5:
0xdd: {  	_ = 	snop;
	(pc) =	sbr.rel .LBB2_2-.Ltmp5, $4  }
0xde: {  	_ =	swait.ge [sflag:s18], $0x6400  }
0xdf: {  	[sflag:s18] =	ssyncset.done $0x0;
	s21 =	sshra.s32 s21, $0x2  }
0xe0: {  	s20 =	sadd.s32 $0x1, s20;
	[sflag:s18] =	ssyncadd.s32 $0xFFFF9C00;
	s21 =	sadd.s32 $0x4B0, s21  }
0xe1: {  	[tilespmem:s14], [sflag:$0x2] =	stream.indirect.gather [hbm4b:s6+s12], $0x40, s21, s12, $0xb8;
	[tilespmem:$0x15E00] =	vst v63  }
.LBB2_9:
0xe2: {  	_ =	sfence.sel $0x180000  }
0xe3: {  	[bflag:$0x0] =	sbarrier.arrive $0xFFFF  }
0xe4: {  	p0 =	sne.s32 s0, $0x0;
	_ =	strace $0x90000047  }
0xe5: {  	s0 =	sadd.s32 @!p0 $0x100000, s1;
	[bflag:$0x2] =	sbarrier.arrive $0xFFFF  }
0xe6: {  	[sflag:s0] =	ssyncadd.tile.s32 @!p0 $0x1;
	_ =	shalt  }
.Lfunc_end2:
_tile_overlayer_lowered:
.L_overlay_start_2:
0xe7: {  	(tag) =	ssettag $0x2  }
0xe8: {  	s0 =	rddreg [dreg:$0x0];
	s2 =	stileid.u32  }
0xe9: {  	s1 =	rddreg [dreg:$0x1];
	p0 =	sne.s32 s2, $0x0  }
0xea: {  	s3 =	rddreg [dreg:$0x2];
	[bflag:$0x3] =	sbarrier.arrive $0xFFFF;
	s2 =	simm.s32 @!p0 $0x1C05  }
0xeb: {  	[timem:s3], [sflag:s2] =	dma.local @!p0 [hbm:s0], s1  }
0xec: {  	s0 =	simm.s32 @!p0 $0x5  }
0xed: {  	_ =	swait.ge @!p0 [sflag:s0], s1  }
0xee: {  	s1 =	ssub.s32 @!p0 $0x0, s1;
	[sflag:s0] =	ssyncset.done @!p0 $0x0  }
0xef: {  	[sflag:s0] =	ssyncadd.s32 @!p0 s1  }
0xf0: {  	[bflag:$0x3] =	sbarrier.arrive $0xFFFF  }
0xf1: {  	_ =	shalt  }

// kernel: sparse-core-data-format-call.cloned.1.call-start
scs
called_computation_lowered:
.L_overlay_start_0:
0x0: {  	s2 =	sld [smem:$0x3FD9]  }
0x1: {  	s3 =	sld [smem:$0x3FFE];
	_ =	sdelay $0x1  }
0x2: {  	s1 =	srdreg.scid  }
0x3: {  	s0 =	sand.u32 $0x1, s1  }
0x4: {  	s18 =	sshll.u32 s0, $0xA;
	s2 =	sadd.s32 s3, s2  }
0x5: {  	s2 =	sadd.s32 s2, s18  }
0x6: {  	[smem:$0x3FC5] =	sst s2  }
0x7: {  	_ = 	snop  }
0x8: {  	s2 =	sld [smem:$0x3FD0];
	(tm) =	ssettm $0x1  }
0x9: {  	s19 =	sld [smem:$0x3FFB];
	_ =	sdelay $0x3  }
0xa: {  	_ =	strace s19  }
0xb: {  	s3 =	sld [smem:$0x3FFC];
	_ =	sdelay $0x3  }
0xc: {  	_ =	strace s3  }
0xd: {  	s3 =	sld [smem:$0x3FFD];
	_ =	sdelay $0x3  }
0xe: {  	_ =	strace s3  }
0xf: {  	_ =	strace $0x8FFFFFFF  }
0x10: {  	s20 =	sld [smem:$0x3FDB];
	_ =	sdelay $0x1  }
0x11: {  	s4 =	simm.s32 $_scs_section_size  }
0x12: {  	s5 =	simm.s32 $_size__tile_overlayer_lowered;
	s6 =	simm.s32 $_tile_overlayer_lowered  }
0x13: {  	s23 =	simm.s32 $0x1BFF;
	s22 =	sshll.u32 s6, $0x1;
	s3 =	sadd.s32 s4, s20  }
0x14: {  	s7 =	simm.s32 $0x0;
	s21 =	sshll.u32 s5, $0x1;
	s5 =	sadd.s32 s22, s3  }
0x15: {  	[timem:s7], [sflag:s23] =	dma.local [hbm:s5], s21  }
0x16: {  	_ =	swait.ge [sflag:s23], s21  }
0x17: {  	s4 =	ssub.s32 $0x0, s21;
	[sflag:s23] =	ssyncset.done $0x0  }
0x18: {  	[sflag:s23] =	ssyncadd.s32 s4;
	_ =	sdelay $0x1  }
0x19: {  	s24 =	simm.s32 $0x1B8B  }
0x1a: {  	_ =	swait.ge [sflag:s24], $0x1  }
0x1b: {  	[sflag:s24] =	ssyncset.done $0x0  }
0x1c: {  	s26 =	simm.s32 $0x1B8E;
	s25 =	sld [smem:$0x3FFE];
	[sflag:s24] =	ssyncadd.s32 $0xFFFFFFFF  }
0x1d: {  	s27 =	simm.s32 $execute0_lowered;
	[smem:$0x3FD2] =	sst s26  }
0x1e: {  	s5 =	sshll.u32 s27, $0x1;
	_ =	strace $0x80000049;
	[dreg:$0x1] =	wrdreg $0xFFFFFFFF  }
0x1f: {  	s28 =	simm.s32 $_size_execute0_lowered;
	s3 =	sadd.s32 s3, s5;
	[dreg:$0x0] =	wrdreg $0x0  }
0x20: {  	s5 =	sshll.u32 s28, $0x1;
	[dreg:$0x2] =	wrdreg s3  }
0x21: {  	[dreg:$0x3] =	wrdreg s5  }
0x22: {  	[dreg:$0x4] =	wrdreg $0xC0  }
0x23: {  	_ =	task [dreg:s7], $0x5FFFF  }
0x24: {  	[dreg:$0x1] =	wrdreg $0xFFFFFFFF  }
0x25: {  	[dreg:$0x0] =	wrdreg $0x60  }
0x26: {  	[dreg:$0x2] =	wrdreg s25  }
0x27: {  	[dreg:$0x3] =	wrdreg s2  }
0x28: {  	[dreg:$0x4] =	wrdreg $0x9  }
0x29: {  	_ =	task.clear_ibuf [dreg:s7], $0x5FFFF;
	_ =	strace $0x90000049  }
0x2a: {  	s29 =	simm.s32 $0x9;
	_ =	strace $0x8000004B  }
0x2b: {  	_ =	swait.ge [sflag:s29], $0x1  }
0x2c: {  	[sflag:s29] =	ssyncadd.s32 $0xFFFFFFFF  }
0x2d: {  	_ =	strace $0x9000004B  }
0x2e: {  	_ =	sfence  }
0x2f: {  	s30 =	sld [smem:$0x0];
	_ =	sdelay $0x2  }
0x30: {  	s31 =	sshll.u32 s1, $0xD;
	s1 =	sshrl.u32 s1, $0x2  }
0x31: {  	s3 =	sand.u32 $0x4000, s31;
	s1 =	sadd.s32 s1, s30  }
0x32: {  	s0 =	sor.u32 s3, s0;
	s1 =	sshll.u32 s1, $0x11  }
0x33: {  	s0 =	sor.u32 s1, s0  }
0x34: {  	s0 =	sadd.s32 $0x8F2B, s0  }
0x35: {  	[sflag:s0] =	ssyncadd.remote.s32 $0x1  }
0x36: {  	_ =	sfence.sel $0xFFFF  }
0x37: {  	[dreg:$0x0] =	wrdreg $0xFFFFFFFF;
	(pc) =	sbr.abs _section_cstart, $3  }
0x38: {  	[dreg:$0x1] =	wrdreg $0xFFFFFFFF  }
0x39: {  	_ =	task.clear_ibuf [dreg:s7], $0x2FFFF;
	_ =	strace $0x9FFFFFFF  }
0x3a: {  	(tm) =	ssettm $0x7FFFFFFF  }
0x3b: {  	_ =	shalt  }
tec
execute0_lowered:
.L_overlay_start_1:
0x0: {  	(tag) =	ssettag $0x1  }
0x1: {  	s0 =	srdreg.scid  }
0x2: {  	s1 =	sshll.u32 s0, $0x4  }
0x3: {  	s0 =	stileid.u32;
	s1 =	sand.u32 $0x10, s1  }
0x4: {  	s1 =	sor.u32 s0, s1  }
0x5: {  	s6 =	rddreg [dreg:$0x0];
	s4 =	simm.s32 $0x1;
	s2 =	sshll.u32 s1, $0x7  }
0x6: {  	s7 =	simm.s32 $0x2;
	s12 =	simm.s32 $0x0;
	s1 =	ssub.s32 $0x1000, s2  }
0x7: {  	s8 =	simm.s32 $0x8000;
	s13 =	simm.s32 $0x0;
	s3 =	sand.u32 $0xF80, s1  }
0x8: {  	s9 =	simm.s32 $0x0;
	s5 =	sshrl.u32 s1, $0xC;
	p0 =	sne.s32 s3, $0x0  }
.Ltmp0:
0x9: {  	s1 =	rddreg [dreg:$0x2];
	s4 =	simm.s32 @!p0 $0x0;
	(pc) =	sbr.rel .LBB1_1-.Ltmp0, $4  }
0xa: {  	s11 =	simm.s32 $0x0;
	s3 =	rddreg [dreg:$0x1];
	s5 =	sadd.s32 s4, s5  }
0xb: {  	_ =	strace $0x8000004A;
	s4 =	simm.s32 $0x1;
	s5 =	smul.u32 $0xC8, s5  }
0xc: {  	s6 =	sadd.s32 $0x800, s6;
	s10 =	smov.u32 s2;
	[sflag:s4] =	ssyncpa.u1 $0x0  }
0xd: {  	p0 =	por $0x0, $0x0;
	[sflag:s7] =	ssyncpa.u1 $0x0;
	s7 =	sor.u32 $0x1, s5  }
.LBB1_4:
0xe: {  	s16 =	sshll.u32 s13, $0x3;
	s17 =	sand.u32 $0x78, s13  }
0xf: {  	s30 =	sand.u32 $0x7E00, s13;
	s12 =	sshll.u32 s12, $0xF;
	s16 =	sand.u32 $0xC00, s16  }
0x10: {  	[tilespmem:s15+$0x810 ss:$0x81] =	vst.msk $0xffff, v2;
	s31 =	sand.u32 $0x7, s13;
	s16 =	sor.u32 s17, s16;
	s17 =	sadd.s32 s3, s30  }
0x11: {  	[tilespmem:s15+$0x1020 ss:$0x81] =	vst.msk $0xffff, v0;
	s13 =	sshll.u32 s31, $0x12;
	s12 =	sadd.s32 s12, s17;
	s16 =	sshrl.u32 s16, $0x3  }
0x12: {  	[tilespmem:s15+$0x0 ss:$0x81] =	vst.msk $0xffff, v1;
	s13 =	sor.u32 $0x400, s13;
	s12 =	sadd.s32 s16, s12  }
0x13: {  	[hbm4b:s12+s13] =	stream.strided.scatter [tilespmem:s14], [sflag:$0x2], $0x2000, s8, s13, $0x20;
	[tilespmem:$0x8080] =	vst v63  }
.LBB1_5:
0x14: {  	s14 =	sadd.s32 $0x1, s9  }
0x15: {  	s12 =	sadd.s32 $0x1000, s10;
	s16 =	smov.u32 s10;
	p2 =	sgt.s32 s14, $0xC7  }
0x16: {  	s16 =	smov.u32 @p2 s12  }
0x17: {  	s14 =	simm.s32 @p2 $0x0;
	p2 =	sgt.s32 s16, $0xFFF  }
0x18: {  	s16 =	smov.u32 @p2 s2;
	p2 =	sne.s32 s11, s7  }
.Ltmp1:
0x19: {  	p1 =	slt.u32 s11, $0x2;
	(pc) =	sbr.rel @!p2 .LBB1_6-.Ltmp1, $4  }
0x1a: {  	s15 =	simm.s32 @!p1 $0x2  }
0x1b: {  	s13 =	smov.u32 s10;
	p0 =	por !p0, !p0;
	_ =	swait.ge @!p1 [sflag:s15], $0x2000  }
0x1c: {  	s12 =	smov.u32 s9;
	[sflag:s15] =	ssyncset.done @!p1 $0x0;
	s9 =	smov.u32 s14  }
0x1d: {  	s11 =	sadd.s32 $0x1, s11;
	[sflag:s15] =	ssyncadd.s32 @!p1 $0xFFFFE000;
	s10 =	smov.u32 s16  }
.LBB1_1:
0x1e: {  	p1 =	sge.u32 s11, s5  }
0x1f: {  	s14 =	sand.u32 @!p1 $0x1FFFFFF, s9  }
0x20: {  	s15 =	smulhi.u32 @!p1 $0x147AE15, s14;
	_ =	sdelay $0x1  }
0x21: {  	s15 =	smul.u32 @!p1 $0xC8, s15  }
0x22: {  	s16 =	sxor.u32 @!p1 $0xFFFFFFFF, s11;
	s17 =	smul.u32 @!p1 $0xC80, s10  }
0x23: {  	s31 =	sadd.s32 $0xFFFFFFFF, s11;
	s16 =	sshll.u32 @!p1 s16, $0xD;
	s14 =	ssub.s32 @!p1 s14, s15  }
0x24: {  	s15 =	sand.u32 @!p1 $0x2000, s16;
	s16 =	sadd.s32 @!p1 s6, s17;
	s14 =	sshll.u32 @!p1 s14, $0x4  }
0x25: {  	s17 =	simm.s32 @!p1 $0x6400;
	s14 =	sadd.s32 @!p1 s14, s16;
	s16 =	simm.s32 @!p1 $0x40  }
0x26: {  	[tilespmem:s15], [sflag:$0x1] =	stream.strided.gather @!p1 [hbm4b:s14+s16], $0x2000, s17, s16, $0x38;
	[tilespmem:$0x8080] =	vst v63  }
0x27: {  	p1 =	sge.u32 s31, s5  }
.Ltmp2:
0x28: {  	_ = 	snop;
	(pc) =	sbr.rel @p1 .LBB1_5-.Ltmp2, $1  }
0x29: {  	_ =	sdelay $0x3  }
0x2a: {  	s14 =	simm.s32 $0x1  }
0x2b: {  	_ =	swait.ge [sflag:s4], $0x2000;
	s14 =	simm.s32 @!p0 $0x0  }
0x2c: {  	[sflag:s4] =	ssyncset.done $0x0;
	s15 =	sshll.u32 s14, $0xD  }
0x2d: {  	[sflag:s4] =	ssyncadd.s32 $0xFFFFE000;
	s18 =	sor.u32 $0x20, s15  }
0x2e: {  	s14 =	smul.u32 $0x8100, s14;
	v3 =	vld [tilespmem:s18+$0x10]  }
0x2f: {  	s30 =	sand.u32 $0x1, s11;
	v2 =	vld [tilespmem:s18+$0xFFFFFFF0]  }
0x30: {  	s15 =	smul.u32 $0x8100, s30;
	s14 =	sshrl.u32 s14, $0x2;
	v0 =	vld [tilespmem:s18+$0x0]  }
0x31: {  	v1 =	vld [tilespmem:s18+$0xFFFFFFE0];
	s16 =	sor.u32 $0x4000, s14  }
0x32: {  	s31 =	sshrl.u32 s15, $0x2;
	s15 =	sadd.s32 $0x0, s16  }
0x33: {  	s17 =	simm.s32 $0x4;
	s18 =	sadd.s32 $0x40, s18;
	s14 =	sor.u32 $0x4000, s31;
	[tilespmem:s15+$0x1830 ss:$0x81] =	vst.msk $0xffff, v3  }
.LBB1_3:
0x34: {  	v3 =	vld [tilespmem:s18+$0x10];
	p1 =	sne.s32 s17, $0x1FC;
	[tilespmem:s15+$0x810 ss:$0x81] =	vst.msk $0xffff, v2;
	s19 =	smov.u32 s17;
	s17 =	sadd.s32 $0x4, s17  }
.Ltmp3:
0x35: {  	v2 =	vld [tilespmem:s18+$0xFFFFFFF0];
	[tilespmem:s15+$0x1020 ss:$0x81] =	vst.msk $0xffff, v0;
	(pc) =	sbr.rel @p1 .LBB1_3-.Ltmp3, $4  }
0x36: {  	v0 =	vld [tilespmem:s18+$0x0];
	[tilespmem:s15+$0x0 ss:$0x81] =	vst.msk $0xffff, v1  }
0x37: {  	s15 =	sshra.s32 s19, $0x2;
	v1 =	vld [tilespmem:s18+$0xFFFFFFE0]  }
0x38: {  	s15 =	sadd.s32 s15, s16  }
0x39: {  	s18 =	sadd.s32 $0x40, s18;
	[tilespmem:s15+$0x1830 ss:$0x81] =	vst.msk $0xffff, v3  }
.Ltmp4:
0x3a: {  	_ = 	snop;
	(pc) =	sbr.rel .LBB1_4-.Ltmp4, $1  }
0x3b: {  	_ =	sdelay $0x3  }
.LBB1_6:
0x3c: {  	_ =	sfence.sel $0x180000  }
0x3d: {  	s2 =	simm.s32 $0x1;
	[bflag:$0x0] =	sbarrier.arrive $0xFFFF  }
0x3e: {  	s31 =	simm.s32 $0x2;
	[sflag:s2] =	ssyncpa.u1 $0x1  }
0x3f: {  	[sflag:s31] =	ssyncpa.u1 $0x1  }
0x40: {  	p0 =	sne.s32 s0, $0x0;
	_ =	strace $0x9000004A  }
0x41: {  	s0 =	sadd.s32 @!p0 $0x100000, s1;
	[bflag:$0x2] =	sbarrier.arrive $0xFFFF  }
0x42: {  	[sflag:s0] =	ssyncadd.tile.s32 @!p0 $0x1;
	_ =	shalt  }
.Lfunc_end1:
_tile_overlayer_lowered:
.L_overlay_start_2:
0x43: {  	(tag) =	ssettag $0x2  }
0x44: {  	s0 =	rddreg [dreg:$0x0];
	s2 =	stileid.u32  }
0x45: {  	s1 =	rddreg [dreg:$0x1];
	p0 =	sne.s32 s2, $0x0  }
0x46: {  	s3 =	rddreg [dreg:$0x2];
	[bflag:$0x3] =	sbarrier.arrive $0xFFFF;
	s2 =	simm.s32 @!p0 $0x1C01  }
0x47: {  	[timem:s3], [sflag:s2] =	dma.local @!p0 [hbm:s0], s1  }
0x48: {  	s0 =	simm.s32 @!p0 $0x1  }
0x49: {  	_ =	swait.ge @!p0 [sflag:s0], s1  }
0x4a: {  	s1 =	ssub.s32 @!p0 $0x0, s1;
	[sflag:s0] =	ssyncset.done @!p0 $0x0  }
0x4b: {  	[sflag:s0] =	ssyncadd.s32 @!p0 s1  }
0x4c: {  	[bflag:$0x3] =	sbarrier.arrive $0xFFFF  }
0x4d: {  	_ =	shalt  }

</sc_bundles>
